<compile_context>
chip_gen: v7x
topology: tpu7x:2x2x1
jax: 0.10.2.dev20260603
libtpu: 0.0.44.dev20260713+nightly
codegen_flags: <defaults>
</compile_context>

<pallas_src>
import functools

import jax
import jax.numpy as jnp
from jax import lax
from jax.experimental import pallas as pl
from jax.experimental.pallas import tpu as pltpu
from jax.experimental.pallas import tpu_sc as plsc

NUM_BINS = 10
EMBED_DIM = 32
HP_CH = 10

NC = 2
NS = 16
L = 16
NW = NC * NS

CHUNK = 1024


def _sc_body(x_hbm, w_hbm, out_hbm, tbl, inbufs, outbufs, insems, outsems,
             *, n_ch, rows_per_w):
    wid = lax.axis_index("s") * NC + lax.axis_index("c")
    n_chunks = rows_per_w // CHUNK

    pltpu.sync_copy(w_hbm, tbl)

    lanes = lax.iota(jnp.int32, L)
    il_in = lanes * n_ch
    il_out = lanes * EMBED_DIM
    row0 = wid * rows_per_w

    def in_issue(chunk, buf):
        base = (row0 + chunk * CHUNK) * n_ch
        pltpu.async_copy(
            x_hbm.at[pl.ds(base, CHUNK * n_ch)], inbufs[buf], insems[buf])

    def in_wait(buf):
        pltpu.make_async_copy(
            x_hbm.at[pl.ds(0, CHUNK * n_ch)], inbufs[buf], insems[buf]).wait()

    def out_issue(chunk, buf):
        base = (row0 + chunk * CHUNK) * EMBED_DIM
        pltpu.async_copy(
            outbufs[buf], out_hbm.at[pl.ds(base, CHUNK * EMBED_DIM)],
            outsems[buf])

    def out_wait(buf):
        pltpu.make_async_copy(
            outbufs[buf], out_hbm.at[pl.ds(0, CHUNK * EMBED_DIM)],
            outsems[buf]).wait()

    def compute(inb, outb):
        def grp(g, carry):
            num = plsc.load_gather(inb, [il_in + (g * (L * n_ch) + HP_CH)])
            den = plsc.load_gather(inb, [il_in + (g * (L * n_ch) + HP_CH + 1)])
            idx = jnp.zeros((L,), jnp.int32)
            for k in range(NUM_BINS - 1):
                idx = idx + (den * (k / 8.0) < num).astype(jnp.int32)
            ob = il_out + g * (L * EMBED_DIM)
            for e in range(EMBED_DIM):
                vals = plsc.load_gather(tbl, [idx + e * NUM_BINS])
                plsc.store_scatter(outb, [ob + e], vals)
            return carry

        lax.fori_loop(0, CHUNK // L, grp, 0, unroll=False)

    in_issue(0, 0)

    def step(chunk, carry):
        for b in range(2):

            @pl.when(chunk % 2 == b)
            def _():
                in_wait(b)

                @pl.when(chunk + 1 < n_chunks)
                def _():
                    in_issue(chunk + 1, 1 - b)

                @pl.when(chunk >= 2)
                def _():
                    out_wait(b)

                compute(inbufs[b], outbufs[b])
                out_issue(chunk, b)

        return carry

    lax.fori_loop(0, n_chunks, step, 0)
    out_wait((n_chunks - 2) % 2)
    out_wait((n_chunks - 1) % 2)


def kernel(blstats, W):
    b, t, n_ch = blstats.shape
    n = b * t
    rows_per_w = n // NW

    x_flat = blstats.reshape(n * n_ch)
    w_flat = W.reshape(EMBED_DIM * NUM_BINS)

    mesh = plsc.VectorSubcoreMesh(core_axis_name="c", subcore_axis_name="s")
    body = functools.partial(_sc_body, n_ch=n_ch, rows_per_w=rows_per_w)
    sc_call = pl.kernel(
        body,
        out_type=jax.ShapeDtypeStruct((n * EMBED_DIM,), jnp.float32),
        mesh=mesh,
        compiler_params=pltpu.CompilerParams(
            use_tc_tiling_on_sc=False, needs_layout_passes=False),
        scratch_types=[
            pltpu.VMEM((NUM_BINS * EMBED_DIM,), jnp.float32),
            [pltpu.VMEM((CHUNK * n_ch,), jnp.float32) for _ in range(2)],
            [pltpu.VMEM((CHUNK * EMBED_DIM,), jnp.float32) for _ in range(2)],
            [pltpu.SemaphoreType.DMA for _ in range(2)],
            [pltpu.SemaphoreType.DMA for _ in range(2)],
        ],
    )
    out = sc_call(x_flat, w_flat)
    return out.reshape(b, t, EMBED_DIM)

# --- scband reference (transcript-rebuilt; emitter-appended) ---
"""Pipeline reference for scband-hp-23063974379556 (READ-ONLY COPY).

The authoritative reference and input builder live on the scoring server;
editing this copy changes nothing except your own understanding.
"""

import jax, jax.numpy as jnp
import numpy as np

NLE_BL_HP = 10
NLE_BL_HPMAX = 11
NUM_BINS = 10
EMBED_DIM = 32


def setup_inputs(seed: int = 0) -> dict:
    key = jax.random.key(seed)
    k1, k2 = jax.random.split(key)
    blstats = jax.random.uniform(k1, (4096, 200, 27), dtype=jnp.float32)
    # nn.Linear(num_bins, embedding_dim, bias=False): weight shape [embedding_dim, num_bins]
    W = jax.random.normal(k2, (EMBED_DIM, NUM_BINS), dtype=jnp.float32) * (1.0 / np.sqrt(NUM_BINS))
    return {"blstats": blstats, "W": W}


def reference(blstats, W):
    # hp ratio
    hp = blstats[..., NLE_BL_HP] / blstats[..., NLE_BL_HPMAX]
    hp = jnp.nan_to_num(hp)
    # EquispacedEmbedding(0, 1, steps=num_bins-1, scale='lin'):
    # linear-spaced bucket boundaries, bucketize -> one-hot over num_bins classes
    limits = jnp.linspace(0.0, 1.0, NUM_BINS - 1)
    idx = jnp.searchsorted(limits, hp)  # int in [0, NUM_BINS-1]
    onehot = jax.nn.one_hot(idx, NUM_BINS, dtype=jnp.float32)
    # linear (no bias): onehot @ W^T
    return onehot @ W.T

if __name__ == "__main__":
    import jax
    _d = setup_inputs()
    print(jax.jit(kernel)(*tuple(_d.values())))

</pallas_src>

<mosaic_0001>
#map = affine_map<(d0, d1) -> (0)>
module attributes {stable_mosaic.version = 14 : i64} {
  func.func @_sc_body(%arg0: i32, %arg1: i32, %arg2: memref<22118400xf32, #tpu.memory_space<hbm>>, %arg3: memref<320xf32, #tpu.memory_space<hbm>>, %arg4: memref<26214400xf32, #tpu.memory_space<hbm>>, %arg5: memref<320xf32, #tpu.memory_space<vmem>>, %arg6: memref<27648xf32, #tpu.memory_space<vmem>>, %arg7: memref<27648xf32, #tpu.memory_space<vmem>>, %arg8: memref<32768xf32, #tpu.memory_space<vmem>>, %arg9: memref<32768xf32, #tpu.memory_space<vmem>>, %arg10: memref<!tpu.dma_semaphore, #tpu.memory_space<semaphore_mem>>, %arg11: memref<!tpu.dma_semaphore, #tpu.memory_space<semaphore_mem>>, %arg12: memref<!tpu.dma_semaphore, #tpu.memory_space<semaphore_mem>>, %arg13: memref<!tpu.dma_semaphore, #tpu.memory_space<semaphore_mem>>) attributes {dimension_semantics = [#tpu.dimension_semantics<core_parallel>, #tpu.dimension_semantics<subcore_parallel>], iteration_bounds = array<i64: 2, 16>, scalar_prefetch = 0 : i64, scratch_operands = 9 : i64, tpu.core_type = #tpu.core_type<sc_vector_subcore>, window_params = [{transform_indices = #map}, {transform_indices = #map}, {transform_indices = #map}]} {
    %mul3A = arith.constant 2 : i32
    %mul3A_0 = arith.muli %arg1, %mul3A : i32
    %add3A = arith.addi %mul3A_0, %arg0 : i32
    "tpu.region"() ({
      %run_scoped3A = tpu.sem_alloc : memref<!tpu.dma_semaphore, #tpu.memory_space<semaphore_mem>>
      tpu.enqueue_dma source(%arg3 : memref<320xf32, #tpu.memory_space<hbm>>) target(%arg5 : memref<320xf32, #tpu.memory_space<vmem>>) target_semaphore(%run_scoped3A : memref<!tpu.dma_semaphore, #tpu.memory_space<semaphore_mem>>)
      tpu.wait_dma2 semaphore(%run_scoped3A : memref<!tpu.dma_semaphore, #tpu.memory_space<semaphore_mem>>) src(%arg3 : memref<320xf32, #tpu.memory_space<hbm>>) dst(%arg5 : memref<320xf32, #tpu.memory_space<vmem>>)
      tpu.yield
    }) : () -> ()
    %iota3A = tpu.iota {dimensions = array<i32: 0>} : vector<16xi32>
    %mul3A_1 = arith.constant 27 : i32
    %mul3A_2 = vector.broadcast %mul3A_1 : i32 to vector<16xi32>
    %mul3A_3 = arith.muli %iota3A, %mul3A_2 : vector<16xi32>
    %mul3A_4 = arith.constant 32 : i32
    %mul3A_5 = vector.broadcast %mul3A_4 : i32 to vector<16xi32>
    %mul3A_6 = arith.muli %iota3A, %mul3A_5 : vector<16xi32>
    %mul3A_7 = arith.constant 25600 : i32
    %mul3A_8 = arith.muli %add3A, %mul3A_7 : i32
    %add3A_9 = arith.constant 0 : i32
    %add3A_10 = arith.addi %mul3A_8, %add3A_9 : i32
    %mul3A_11 = arith.constant 27 : i32
    %mul3A_12 = arith.muli %add3A_10, %mul3A_11 : i32
    %dma_start3A = tpu.memref_slice %arg2[%mul3A_12] : memref<22118400xf32, #tpu.memory_space<hbm>> -> memref<27648xf32, #tpu.memory_space<hbm>>
    %dma_start3A_13 = tpu.memref_slice %arg2[%mul3A_12] : memref<22118400xf32, #tpu.memory_space<hbm>> -> memref<27648xf32, #tpu.memory_space<hbm>>
    tpu.enqueue_dma source(%dma_start3A_13 : memref<27648xf32, #tpu.memory_space<hbm>>) target(%arg6 : memref<27648xf32, #tpu.memory_space<vmem>>) target_semaphore(%arg10 : memref<!tpu.dma_semaphore, #tpu.memory_space<semaphore_mem>>)
    %scan3A = arith.constant 0 : i32
    %scan3A_14 = arith.constant 0 : i32
    %scan3A_15 = arith.constant 25 : i32
    %scan3A_16 = arith.addi %scan3A_14, %scan3A_15 : i32
    %scan3A_17 = arith.constant 1 : i32
    scf.for %scan3A_26 = %scan3A_14 to %scan3A_16 step %scan3A_17  : i32 {
      %jit3A = arith.constant 2 : i32
      %eq3A = arith.constant 0 : i32
      %eq3A_27 = arith.cmpi eq, %jit3A, %eq3A : i32
      %jit3A_28 = arith.constant 1 : i32
      %select_n3A = arith.select %eq3A_27, %jit3A_28, %jit3A : i32
      %rem3A = arith.remsi %scan3A_26, %select_n3A : i32
      %ne3A = arith.constant 0 : i32
      %ne3A_29 = arith.cmpi ne, %rem3A, %ne3A : i32
      %lt3A = arith.constant 0 : i32
      %lt3A_30 = arith.cmpi slt, %rem3A, %lt3A : i32
      %lt3A_31 = arith.constant 0 : i32
      %lt3A_32 = arith.cmpi slt, %select_n3A, %lt3A_31 : i32
      %ne3A_33 = arith.xori %lt3A_30, %lt3A_32 : i1
      %and3A = arith.andi %ne3A_33, %ne3A_29 : i1
      %add3A_34 = arith.addi %rem3A, %select_n3A : i32
      %select_n3A_35 = arith.select %and3A, %add3A_34, %rem3A : i32
      %eq3A_36 = arith.constant 0 : i32
      %eq3A_37 = arith.cmpi eq, %select_n3A_35, %eq3A_36 : i32
      %convert_element_type3A = arith.extui %eq3A_37 : i1 to i32
      %cond3A = arith.constant 0 : i32
      %cond3A_38 = arith.cmpi ne, %convert_element_type3A, %cond3A : i32
      scf.if %cond3A_38 {
        %dma_wait3A_60 = arith.constant 0 : i32
        %dma_wait3A_61 = tpu.memref_slice %arg2[%dma_wait3A_60] : memref<22118400xf32, #tpu.memory_space<hbm>> -> memref<27648xf32, #tpu.memory_space<hbm>>
        %dma_wait3A_62 = arith.constant 0 : i32
        %dma_wait3A_63 = tpu.memref_slice %arg2[%dma_wait3A_62] : memref<22118400xf32, #tpu.memory_space<hbm>> -> memref<27648xf32, #tpu.memory_space<hbm>>
        tpu.wait_dma2 semaphore(%arg10 : memref<!tpu.dma_semaphore, #tpu.memory_space<semaphore_mem>>) src(%dma_wait3A_63 : memref<27648xf32, #tpu.memory_space<hbm>>) dst(%arg6 : memref<27648xf32, #tpu.memory_space<vmem>>)
        %add3A_64 = arith.constant 1 : i32
        %add3A_65 = arith.addi %scan3A_26, %add3A_64 : i32
        %lt3A_66 = arith.constant 25 : i32
        %lt3A_67 = arith.cmpi slt, %add3A_65, %lt3A_66 : i32
        %convert_element_type3A_68 = arith.extui %lt3A_67 : i1 to i32
        %cond3A_69 = arith.constant 0 : i32
        %cond3A_70 = arith.cmpi ne, %convert_element_type3A_68, %cond3A_69 : i32
        scf.if %cond3A_70 {
          %add3A_88 = arith.constant 1 : i32
          %add3A_89 = arith.addi %scan3A_26, %add3A_88 : i32
          %mul3A_90 = arith.constant 1024 : i32
          %mul3A_91 = arith.muli %add3A_89, %mul3A_90 : i32
          %add3A_92 = arith.addi %mul3A_8, %mul3A_91 : i32
          %mul3A_93 = arith.constant 27 : i32
          %mul3A_94 = arith.muli %add3A_92, %mul3A_93 : i32
          %dma_start3A_95 = tpu.memref_slice %arg2[%mul3A_94] : memref<22118400xf32, #tpu.memory_space<hbm>> -> memref<27648xf32, #tpu.memory_space<hbm>>
          %dma_start3A_96 = tpu.memref_slice %arg2[%mul3A_94] : memref<22118400xf32, #tpu.memory_space<hbm>> -> memref<27648xf32, #tpu.memory_space<hbm>>
          tpu.enqueue_dma source(%dma_start3A_96 : memref<27648xf32, #tpu.memory_space<hbm>>) target(%arg7 : memref<27648xf32, #tpu.memory_space<vmem>>) target_semaphore(%arg11 : memref<!tpu.dma_semaphore, #tpu.memory_space<semaphore_mem>>)
        } else {
        }
        %ge3A = arith.constant 2 : i32
        %ge3A_71 = arith.cmpi sge, %scan3A_26, %ge3A : i32
        %convert_element_type3A_72 = arith.extui %ge3A_71 : i1 to i32
        %cond3A_73 = arith.constant 0 : i32
        %cond3A_74 = arith.cmpi ne, %convert_element_type3A_72, %cond3A_73 : i32
        scf.if %cond3A_74 {
          %dma_wait3A_88 = arith.constant 0 : i32
          %dma_wait3A_89 = tpu.memref_slice %arg4[%dma_wait3A_88] : memref<26214400xf32, #tpu.memory_space<hbm>> -> memref<32768xf32, #tpu.memory_space<hbm>>
          %dma_wait3A_90 = arith.constant 0 : i32
          %dma_wait3A_91 = tpu.memref_slice %arg4[%dma_wait3A_90] : memref<26214400xf32, #tpu.memory_space<hbm>> -> memref<32768xf32, #tpu.memory_space<hbm>>
          tpu.wait_dma2 semaphore(%arg12 : memref<!tpu.dma_semaphore, #tpu.memory_space<semaphore_mem>>) src(%arg8 : memref<32768xf32, #tpu.memory_space<vmem>>) dst(%dma_wait3A_91 : memref<32768xf32, #tpu.memory_space<hbm>>)
        } else {
        }
        %scan3A_75 = arith.constant 0 : i32
        %scan3A_76 = arith.constant 0 : i32
        %scan3A_77 = arith.constant 64 : i32
        %scan3A_78 = arith.addi %scan3A_76, %scan3A_77 : i32
        %scan3A_79 = arith.constant 1 : i32
        scf.for %scan3A_88 = %scan3A_76 to %scan3A_78 step %scan3A_79  : i32 {
          %mul3A_89 = arith.constant 432 : i32
          %mul3A_90 = arith.muli %scan3A_88, %mul3A_89 : i32
          %add3A_91 = arith.constant 10 : i32
          %add3A_92 = arith.addi %mul3A_90, %add3A_91 : i32
          %add3A_93 = vector.broadcast %add3A_92 : i32 to vector<16xi32>
          %add3A_94 = arith.addi %mul3A_3, %add3A_93 : vector<16xi32>
          %gather3A = tpu.vector_load_idx %arg6[%add3A_94] : memref<27648xf32, #tpu.memory_space<vmem>>[vector<16xi32>], vector<16xf32>,
          %mul3A_95 = arith.constant 432 : i32
          %mul3A_96 = arith.muli %scan3A_88, %mul3A_95 : i32
          %add3A_97 = arith.constant 10 : i32
          %add3A_98 = arith.addi %mul3A_96, %add3A_97 : i32
          %add3A_99 = arith.constant 1 : i32
          %add3A_100 = arith.addi %add3A_98, %add3A_99 : i32
          %add3A_101 = vector.broadcast %add3A_100 : i32 to vector<16xi32>
          %add3A_102 = arith.addi %mul3A_3, %add3A_101 : vector<16xi32>
          %gather3A_103 = tpu.vector_load_idx %arg6[%add3A_102] : memref<27648xf32, #tpu.memory_space<vmem>>[vector<16xi32>], vector<16xf32>,
          %broadcast_in_dim3A = arith.constant 0 : i32
          %broadcast_in_dim3A_104 = vector.broadcast %broadcast_in_dim3A : i32 to vector<16xi32>
          %mul3A_105 = arith.constant 0.000000e+00 : f32
          %mul3A_106 = vector.broadcast %mul3A_105 : f32 to vector<16xf32>
          %mul3A_107 = arith.mulf %gather3A_103, %mul3A_106 : vector<16xf32>
          %lt3A_108 = arith.cmpf olt, %mul3A_107, %gather3A : vector<16xf32>
          %convert_element_type3A_109 = arith.extui %lt3A_108 : vector<16xi1> to vector<16xi32>
          %add3A_110 = arith.addi %broadcast_in_dim3A_104, %convert_element_type3A_109 : vector<16xi32>
          %mul3A_111 = arith.constant 1.250000e-01 : f32
          %mul3A_112 = vector.broadcast %mul3A_111 : f32 to vector<16xf32>
          %mul3A_113 = arith.mulf %gather3A_103, %mul3A_112 : vector<16xf32>
          %lt3A_114 = arith.cmpf olt, %mul3A_113, %gather3A : vector<16xf32>
          %convert_element_type3A_115 = arith.extui %lt3A_114 : vector<16xi1> to vector<16xi32>
          %add3A_116 = arith.addi %add3A_110, %convert_element_type3A_115 : vector<16xi32>
          %mul3A_117 = arith.constant 2.500000e-01 : f32
          %mul3A_118 = vector.broadcast %mul3A_117 : f32 to vector<16xf32>
          %mul3A_119 = arith.mulf %gather3A_103, %mul3A_118 : vector<16xf32>
          %lt3A_120 = arith.cmpf olt, %mul3A_119, %gather3A : vector<16xf32>
          %convert_element_type3A_121 = arith.extui %lt3A_120 : vector<16xi1> to vector<16xi32>
          %add3A_122 = arith.addi %add3A_116, %convert_element_type3A_121 : vector<16xi32>
          %mul3A_123 = arith.constant 3.750000e-01 : f32
          %mul3A_124 = vector.broadcast %mul3A_123 : f32 to vector<16xf32>
          %mul3A_125 = arith.mulf %gather3A_103, %mul3A_124 : vector<16xf32>
          %lt3A_126 = arith.cmpf olt, %mul3A_125, %gather3A : vector<16xf32>
          %convert_element_type3A_127 = arith.extui %lt3A_126 : vector<16xi1> to vector<16xi32>
          %add3A_128 = arith.addi %add3A_122, %convert_element_type3A_127 : vector<16xi32>
          %mul3A_129 = arith.constant 5.000000e-01 : f32
          %mul3A_130 = vector.broadcast %mul3A_129 : f32 to vector<16xf32>
          %mul3A_131 = arith.mulf %gather3A_103, %mul3A_130 : vector<16xf32>
          %lt3A_132 = arith.cmpf olt, %mul3A_131, %gather3A : vector<16xf32>
          %convert_element_type3A_133 = arith.extui %lt3A_132 : vector<16xi1> to vector<16xi32>
          %add3A_134 = arith.addi %add3A_128, %convert_element_type3A_133 : vector<16xi32>
          %mul3A_135 = arith.constant 6.250000e-01 : f32
          %mul3A_136 = vector.broadcast %mul3A_135 : f32 to vector<16xf32>
          %mul3A_137 = arith.mulf %gather3A_103, %mul3A_136 : vector<16xf32>
          %lt3A_138 = arith.cmpf olt, %mul3A_137, %gather3A : vector<16xf32>
          %convert_element_type3A_139 = arith.extui %lt3A_138 : vector<16xi1> to vector<16xi32>
          %add3A_140 = arith.addi %add3A_134, %convert_element_type3A_139 : vector<16xi32>
          %mul3A_141 = arith.constant 7.500000e-01 : f32
          %mul3A_142 = vector.broadcast %mul3A_141 : f32 to vector<16xf32>
          %mul3A_143 = arith.mulf %gather3A_103, %mul3A_142 : vector<16xf32>
          %lt3A_144 = arith.cmpf olt, %mul3A_143, %gather3A : vector<16xf32>
          %convert_element_type3A_145 = arith.extui %lt3A_144 : vector<16xi1> to vector<16xi32>
          %add3A_146 = arith.addi %add3A_140, %convert_element_type3A_145 : vector<16xi32>
          %mul3A_147 = arith.constant 8.750000e-01 : f32
          %mul3A_148 = vector.broadcast %mul3A_147 : f32 to vector<16xf32>
          %mul3A_149 = arith.mulf %gather3A_103, %mul3A_148 : vector<16xf32>
          %lt3A_150 = arith.cmpf olt, %mul3A_149, %gather3A : vector<16xf32>
          %convert_element_type3A_151 = arith.extui %lt3A_150 : vector<16xi1> to vector<16xi32>
          %add3A_152 = arith.addi %add3A_146, %convert_element_type3A_151 : vector<16xi32>
          %mul3A_153 = arith.constant 1.000000e+00 : f32
          %mul3A_154 = vector.broadcast %mul3A_153 : f32 to vector<16xf32>
          %mul3A_155 = arith.mulf %gather3A_103, %mul3A_154 : vector<16xf32>
          %lt3A_156 = arith.cmpf olt, %mul3A_155, %gather3A : vector<16xf32>
          %convert_element_type3A_157 = arith.extui %lt3A_156 : vector<16xi1> to vector<16xi32>
          %add3A_158 = arith.addi %add3A_152, %convert_element_type3A_157 : vector<16xi32>
          %mul3A_159 = arith.constant 512 : i32
          %mul3A_160 = arith.muli %scan3A_88, %mul3A_159 : i32
          %add3A_161 = vector.broadcast %mul3A_160 : i32 to vector<16xi32>
          %add3A_162 = arith.addi %mul3A_6, %add3A_161 : vector<16xi32>
          %add3A_163 = arith.constant 0 : i32
          %add3A_164 = vector.broadcast %add3A_163 : i32 to vector<16xi32>
          %add3A_165 = arith.addi %add3A_158, %add3A_164 : vector<16xi32>
          %gather3A_166 = tpu.vector_load_idx %arg5[%add3A_165] : memref<320xf32, #tpu.memory_space<vmem>>[vector<16xi32>], vector<16xf32>,
          %add3A_167 = arith.constant 0 : i32
          %add3A_168 = vector.broadcast %add3A_167 : i32 to vector<16xi32>
          %add3A_169 = arith.addi %add3A_162, %add3A_168 : vector<16xi32>
          tpu.vector_store_idx %arg8[%add3A_169], %gather3A_166 : memref<32768xf32, #tpu.memory_space<vmem>>[vector<16xi32>], vector<16xf32>,
          %add3A_170 = arith.constant 10 : i32
          %add3A_171 = vector.broadcast %add3A_170 : i32 to vector<16xi32>
          %add3A_172 = arith.addi %add3A_158, %add3A_171 : vector<16xi32>
          %gather3A_173 = tpu.vector_load_idx %arg5[%add3A_172] : memref<320xf32, #tpu.memory_space<vmem>>[vector<16xi32>], vector<16xf32>,
          %add3A_174 = arith.constant 1 : i32
          %add3A_175 = vector.broadcast %add3A_174 : i32 to vector<16xi32>
          %add3A_176 = arith.addi %add3A_162, %add3A_175 : vector<16xi32>
          tpu.vector_store_idx %arg8[%add3A_176], %gather3A_173 : memref<32768xf32, #tpu.memory_space<vmem>>[vector<16xi32>], vector<16xf32>,
          %add3A_177 = arith.constant 20 : i32
          %add3A_178 = vector.broadcast %add3A_177 : i32 to vector<16xi32>
          %add3A_179 = arith.addi %add3A_158, %add3A_178 : vector<16xi32>
          %gather3A_180 = tpu.vector_load_idx %arg5[%add3A_179] : memref<320xf32, #tpu.memory_space<vmem>>[vector<16xi32>], vector<16xf32>,
          %add3A_181 = arith.constant 2 : i32
          %add3A_182 = vector.broadcast %add3A_181 : i32 to vector<16xi32>
          %add3A_183 = arith.addi %add3A_162, %add3A_182 : vector<16xi32>
          tpu.vector_store_idx %arg8[%add3A_183], %gather3A_180 : memref<32768xf32, #tpu.memory_space<vmem>>[vector<16xi32>], vector<16xf32>,
          %add3A_184 = arith.constant 30 : i32
          %add3A_185 = vector.broadcast %add3A_184 : i32 to vector<16xi32>
          %add3A_186 = arith.addi %add3A_158, %add3A_185 : vector<16xi32>
          %gather3A_187 = tpu.vector_load_idx %arg5[%add3A_186] : memref<320xf32, #tpu.memory_space<vmem>>[vector<16xi32>], vector<16xf32>,
          %add3A_188 = arith.constant 3 : i32
          %add3A_189 = vector.broadcast %add3A_188 : i32 to vector<16xi32>
          %add3A_190 = arith.addi %add3A_162, %add3A_189 : vector<16xi32>
          tpu.vector_store_idx %arg8[%add3A_190], %gather3A_187 : memref<32768xf32, #tpu.memory_space<vmem>>[vector<16xi32>], vector<16xf32>,
          %add3A_191 = arith.constant 40 : i32
          %add3A_192 = vector.broadcast %add3A_191 : i32 to vector<16xi32>
          %add3A_193 = arith.addi %add3A_158, %add3A_192 : vector<16xi32>
          %gather3A_194 = tpu.vector_load_idx %arg5[%add3A_193] : memref<320xf32, #tpu.memory_space<vmem>>[vector<16xi32>], vector<16xf32>,
          %add3A_195 = arith.constant 4 : i32
          %add3A_196 = vector.broadcast %add3A_195 : i32 to vector<16xi32>
          %add3A_197 = arith.addi %add3A_162, %add3A_196 : vector<16xi32>
          tpu.vector_store_idx %arg8[%add3A_197], %gather3A_194 : memref<32768xf32, #tpu.memory_space<vmem>>[vector<16xi32>], vector<16xf32>,
          %add3A_198 = arith.constant 50 : i32
          %add3A_199 = vector.broadcast %add3A_198 : i32 to vector<16xi32>
          %add3A_200 = arith.addi %add3A_158, %add3A_199 : vector<16xi32>
          %gather3A_201 = tpu.vector_load_idx %arg5[%add3A_200] : memref<320xf32, #tpu.memory_space<vmem>>[vector<16xi32>], vector<16xf32>,
          %add3A_202 = arith.constant 5 : i32
          %add3A_203 = vector.broadcast %add3A_202 : i32 to vector<16xi32>
          %add3A_204 = arith.addi %add3A_162, %add3A_203 : vector<16xi32>
          tpu.vector_store_idx %arg8[%add3A_204], %gather3A_201 : memref<32768xf32, #tpu.memory_space<vmem>>[vector<16xi32>], vector<16xf32>,
          %add3A_205 = arith.constant 60 : i32
          %add3A_206 = vector.broadcast %add3A_205 : i32 to vector<16xi32>
          %add3A_207 = arith.addi %add3A_158, %add3A_206 : vector<16xi32>
          %gather3A_208 = tpu.vector_load_idx %arg5[%add3A_207] : memref<320xf32, #tpu.memory_space<vmem>>[vector<16xi32>], vector<16xf32>,
          %add3A_209 = arith.constant 6 : i32
          %add3A_210 = vector.broadcast %add3A_209 : i32 to vector<16xi32>
          %add3A_211 = arith.addi %add3A_162, %add3A_210 : vector<16xi32>
          tpu.vector_store_idx %arg8[%add3A_211], %gather3A_208 : memref<32768xf32, #tpu.memory_space<vmem>>[vector<16xi32>], vector<16xf32>,
          %add3A_212 = arith.constant 70 : i32
          %add3A_213 = vector.broadcast %add3A_212 : i32 to vector<16xi32>
          %add3A_214 = arith.addi %add3A_158, %add3A_213 : vector<16xi32>
          %gather3A_215 = tpu.vector_load_idx %arg5[%add3A_214] : memref<320xf32, #tpu.memory_space<vmem>>[vector<16xi32>], vector<16xf32>,
          %add3A_216 = arith.constant 7 : i32
          %add3A_217 = vector.broadcast %add3A_216 : i32 to vector<16xi32>
          %add3A_218 = arith.addi %add3A_162, %add3A_217 : vector<16xi32>
          tpu.vector_store_idx %arg8[%add3A_218], %gather3A_215 : memref<32768xf32, #tpu.memory_space<vmem>>[vector<16xi32>], vector<16xf32>,
          %add3A_219 = arith.constant 80 : i32
          %add3A_220 = vector.broadcast %add3A_219 : i32 to vector<16xi32>
          %add3A_221 = arith.addi %add3A_158, %add3A_220 : vector<16xi32>
          %gather3A_222 = tpu.vector_load_idx %arg5[%add3A_221] : memref<320xf32, #tpu.memory_space<vmem>>[vector<16xi32>], vector<16xf32>,
          %add3A_223 = arith.constant 8 : i32
          %add3A_224 = vector.broadcast %add3A_223 : i32 to vector<16xi32>
          %add3A_225 = arith.addi %add3A_162, %add3A_224 : vector<16xi32>
          tpu.vector_store_idx %arg8[%add3A_225], %gather3A_222 : memref<32768xf32, #tpu.memory_space<vmem>>[vector<16xi32>], vector<16xf32>,
          %add3A_226 = arith.constant 90 : i32
          %add3A_227 = vector.broadcast %add3A_226 : i32 to vector<16xi32>
          %add3A_228 = arith.addi %add3A_158, %add3A_227 : vector<16xi32>
          %gather3A_229 = tpu.vector_load_idx %arg5[%add3A_228] : memref<320xf32, #tpu.memory_space<vmem>>[vector<16xi32>], vector<16xf32>,
          %add3A_230 = arith.constant 9 : i32
          %add3A_231 = vector.broadcast %add3A_230 : i32 to vector<16xi32>
          %add3A_232 = arith.addi %add3A_162, %add3A_231 : vector<16xi32>
          tpu.vector_store_idx %arg8[%add3A_232], %gather3A_229 : memref<32768xf32, #tpu.memory_space<vmem>>[vector<16xi32>], vector<16xf32>,
          %add3A_233 = arith.constant 100 : i32
          %add3A_234 = vector.broadcast %add3A_233 : i32 to vector<16xi32>
          %add3A_235 = arith.addi %add3A_158, %add3A_234 : vector<16xi32>
          %gather3A_236 = tpu.vector_load_idx %arg5[%add3A_235] : memref<320xf32, #tpu.memory_space<vmem>>[vector<16xi32>], vector<16xf32>,
          %add3A_237 = arith.constant 10 : i32
          %add3A_238 = vector.broadcast %add3A_237 : i32 to vector<16xi32>
          %add3A_239 = arith.addi %add3A_162, %add3A_238 : vector<16xi32>
          tpu.vector_store_idx %arg8[%add3A_239], %gather3A_236 : memref<32768xf32, #tpu.memory_space<vmem>>[vector<16xi32>], vector<16xf32>,
          %add3A_240 = arith.constant 110 : i32
          %add3A_241 = vector.broadcast %add3A_240 : i32 to vector<16xi32>
          %add3A_242 = arith.addi %add3A_158, %add3A_241 : vector<16xi32>
          %gather3A_243 = tpu.vector_load_idx %arg5[%add3A_242] : memref<320xf32, #tpu.memory_space<vmem>>[vector<16xi32>], vector<16xf32>,
          %add3A_244 = arith.constant 11 : i32
          %add3A_245 = vector.broadcast %add3A_244 : i32 to vector<16xi32>
          %add3A_246 = arith.addi %add3A_162, %add3A_245 : vector<16xi32>
          tpu.vector_store_idx %arg8[%add3A_246], %gather3A_243 : memref<32768xf32, #tpu.memory_space<vmem>>[vector<16xi32>], vector<16xf32>,
          %add3A_247 = arith.constant 120 : i32
          %add3A_248 = vector.broadcast %add3A_247 : i32 to vector<16xi32>
          %add3A_249 = arith.addi %add3A_158, %add3A_248 : vector<16xi32>
          %gather3A_250 = tpu.vector_load_idx %arg5[%add3A_249] : memref<320xf32, #tpu.memory_space<vmem>>[vector<16xi32>], vector<16xf32>,
          %add3A_251 = arith.constant 12 : i32
          %add3A_252 = vector.broadcast %add3A_251 : i32 to vector<16xi32>
          %add3A_253 = arith.addi %add3A_162, %add3A_252 : vector<16xi32>
          tpu.vector_store_idx %arg8[%add3A_253], %gather3A_250 : memref<32768xf32, #tpu.memory_space<vmem>>[vector<16xi32>], vector<16xf32>,
          %add3A_254 = arith.constant 130 : i32
          %add3A_255 = vector.broadcast %add3A_254 : i32 to vector<16xi32>
          %add3A_256 = arith.addi %add3A_158, %add3A_255 : vector<16xi32>
          %gather3A_257 = tpu.vector_load_idx %arg5[%add3A_256] : memref<320xf32, #tpu.memory_space<vmem>>[vector<16xi32>], vector<16xf32>,
          %add3A_258 = arith.constant 13 : i32
          %add3A_259 = vector.broadcast %add3A_258 : i32 to vector<16xi32>
          %add3A_260 = arith.addi %add3A_162, %add3A_259 : vector<16xi32>
          tpu.vector_store_idx %arg8[%add3A_260], %gather3A_257 : memref<32768xf32, #tpu.memory_space<vmem>>[vector<16xi32>], vector<16xf32>,
          %add3A_261 = arith.constant 140 : i32
          %add3A_262 = vector.broadcast %add3A_261 : i32 to vector<16xi32>
          %add3A_263 = arith.addi %add3A_158, %add3A_262 : vector<16xi32>
          %gather3A_264 = tpu.vector_load_idx %arg5[%add3A_263] : memref<320xf32, #tpu.memory_space<vmem>>[vector<16xi32>], vector<16xf32>,
          %add3A_265 = arith.constant 14 : i32
          %add3A_266 = vector.broadcast %add3A_265 : i32 to vector<16xi32>
          %add3A_267 = arith.addi %add3A_162, %add3A_266 : vector<16xi32>
          tpu.vector_store_idx %arg8[%add3A_267], %gather3A_264 : memref<32768xf32, #tpu.memory_space<vmem>>[vector<16xi32>], vector<16xf32>,
          %add3A_268 = arith.constant 150 : i32
          %add3A_269 = vector.broadcast %add3A_268 : i32 to vector<16xi32>
          %add3A_270 = arith.addi %add3A_158, %add3A_269 : vector<16xi32>
          %gather3A_271 = tpu.vector_load_idx %arg5[%add3A_270] : memref<320xf32, #tpu.memory_space<vmem>>[vector<16xi32>], vector<16xf32>,
          %add3A_272 = arith.constant 15 : i32
          %add3A_273 = vector.broadcast %add3A_272 : i32 to vector<16xi32>
          %add3A_274 = arith.addi %add3A_162, %add3A_273 : vector<16xi32>
          tpu.vector_store_idx %arg8[%add3A_274], %gather3A_271 : memref<32768xf32, #tpu.memory_space<vmem>>[vector<16xi32>], vector<16xf32>,
          %add3A_275 = arith.constant 160 : i32
          %add3A_276 = vector.broadcast %add3A_275 : i32 to vector<16xi32>
          %add3A_277 = arith.addi %add3A_158, %add3A_276 : vector<16xi32>
          %gather3A_278 = tpu.vector_load_idx %arg5[%add3A_277] : memref<320xf32, #tpu.memory_space<vmem>>[vector<16xi32>], vector<16xf32>,
          %add3A_279 = arith.constant 16 : i32
          %add3A_280 = vector.broadcast %add3A_279 : i32 to vector<16xi32>
          %add3A_281 = arith.addi %add3A_162, %add3A_280 : vector<16xi32>
          tpu.vector_store_idx %arg8[%add3A_281], %gather3A_278 : memref<32768xf32, #tpu.memory_space<vmem>>[vector<16xi32>], vector<16xf32>,
          %add3A_282 = arith.constant 170 : i32
          %add3A_283 = vector.broadcast %add3A_282 : i32 to vector<16xi32>
          %add3A_284 = arith.addi %add3A_158, %add3A_283 : vector<16xi32>
          %gather3A_285 = tpu.vector_load_idx %arg5[%add3A_284] : memref<320xf32, #tpu.memory_space<vmem>>[vector<16xi32>], vector<16xf32>,
          %add3A_286 = arith.constant 17 : i32
          %add3A_287 = vector.broadcast %add3A_286 : i32 to vector<16xi32>
          %add3A_288 = arith.addi %add3A_162, %add3A_287 : vector<16xi32>
          tpu.vector_store_idx %arg8[%add3A_288], %gather3A_285 : memref<32768xf32, #tpu.memory_space<vmem>>[vector<16xi32>], vector<16xf32>,
          %add3A_289 = arith.constant 180 : i32
          %add3A_290 = vector.broadcast %add3A_289 : i32 to vector<16xi32>
          %add3A_291 = arith.addi %add3A_158, %add3A_290 : vector<16xi32>
          %gather3A_292 = tpu.vector_load_idx %arg5[%add3A_291] : memref<320xf32, #tpu.memory_space<vmem>>[vector<16xi32>], vector<16xf32>,
          %add3A_293 = arith.constant 18 : i32
          %add3A_294 = vector.broadcast %add3A_293 : i32 to vector<16xi32>
          %add3A_295 = arith.addi %add3A_162, %add3A_294 : vector<16xi32>
          tpu.vector_store_idx %arg8[%add3A_295], %gather3A_292 : memref<32768xf32, #tpu.memory_space<vmem>>[vector<16xi32>], vector<16xf32>,
          %add3A_296 = arith.constant 190 : i32
          %add3A_297 = vector.broadcast %add3A_296 : i32 to vector<16xi32>
          %add3A_298 = arith.addi %add3A_158, %add3A_297 : vector<16xi32>
          %gather3A_299 = tpu.vector_load_idx %arg5[%add3A_298] : memref<320xf32, #tpu.memory_space<vmem>>[vector<16xi32>], vector<16xf32>,
          %add3A_300 = arith.constant 19 : i32
          %add3A_301 = vector.broadcast %add3A_300 : i32 to vector<16xi32>
          %add3A_302 = arith.addi %add3A_162, %add3A_301 : vector<16xi32>
          tpu.vector_store_idx %arg8[%add3A_302], %gather3A_299 : memref<32768xf32, #tpu.memory_space<vmem>>[vector<16xi32>], vector<16xf32>,
          %add3A_303 = arith.constant 200 : i32
          %add3A_304 = vector.broadcast %add3A_303 : i32 to vector<16xi32>
          %add3A_305 = arith.addi %add3A_158, %add3A_304 : vector<16xi32>
          %gather3A_306 = tpu.vector_load_idx %arg5[%add3A_305] : memref<320xf32, #tpu.memory_space<vmem>>[vector<16xi32>], vector<16xf32>,
          %add3A_307 = arith.constant 20 : i32
          %add3A_308 = vector.broadcast %add3A_307 : i32 to vector<16xi32>
          %add3A_309 = arith.addi %add3A_162, %add3A_308 : vector<16xi32>
          tpu.vector_store_idx %arg8[%add3A_309], %gather3A_306 : memref<32768xf32, #tpu.memory_space<vmem>>[vector<16xi32>], vector<16xf32>,
          %add3A_310 = arith.constant 210 : i32
          %add3A_311 = vector.broadcast %add3A_310 : i32 to vector<16xi32>
          %add3A_312 = arith.addi %add3A_158, %add3A_311 : vector<16xi32>
          %gather3A_313 = tpu.vector_load_idx %arg5[%add3A_312] : memref<320xf32, #tpu.memory_space<vmem>>[vector<16xi32>], vector<16xf32>,
          %add3A_314 = arith.constant 21 : i32
          %add3A_315 = vector.broadcast %add3A_314 : i32 to vector<16xi32>
          %add3A_316 = arith.addi %add3A_162, %add3A_315 : vector<16xi32>
          tpu.vector_store_idx %arg8[%add3A_316], %gather3A_313 : memref<32768xf32, #tpu.memory_space<vmem>>[vector<16xi32>], vector<16xf32>,
          %add3A_317 = arith.constant 220 : i32
          %add3A_318 = vector.broadcast %add3A_317 : i32 to vector<16xi32>
          %add3A_319 = arith.addi %add3A_158, %add3A_318 : vector<16xi32>
          %gather3A_320 = tpu.vector_load_idx %arg5[%add3A_319] : memref<320xf32, #tpu.memory_space<vmem>>[vector<16xi32>], vector<16xf32>,
          %add3A_321 = arith.constant 22 : i32
          %add3A_322 = vector.broadcast %add3A_321 : i32 to vector<16xi32>
          %add3A_323 = arith.addi %add3A_162, %add3A_322 : vector<16xi32>
          tpu.vector_store_idx %arg8[%add3A_323], %gather3A_320 : memref<32768xf32, #tpu.memory_space<vmem>>[vector<16xi32>], vector<16xf32>,
          %add3A_324 = arith.constant 230 : i32
          %add3A_325 = vector.broadcast %add3A_324 : i32 to vector<16xi32>
          %add3A_326 = arith.addi %add3A_158, %add3A_325 : vector<16xi32>
          %gather3A_327 = tpu.vector_load_idx %arg5[%add3A_326] : memref<320xf32, #tpu.memory_space<vmem>>[vector<16xi32>], vector<16xf32>,
          %add3A_328 = arith.constant 23 : i32
          %add3A_329 = vector.broadcast %add3A_328 : i32 to vector<16xi32>
          %add3A_330 = arith.addi %add3A_162, %add3A_329 : vector<16xi32>
          tpu.vector_store_idx %arg8[%add3A_330], %gather3A_327 : memref<32768xf32, #tpu.memory_space<vmem>>[vector<16xi32>], vector<16xf32>,
          %add3A_331 = arith.constant 240 : i32
          %add3A_332 = vector.broadcast %add3A_331 : i32 to vector<16xi32>
          %add3A_333 = arith.addi %add3A_158, %add3A_332 : vector<16xi32>
          %gather3A_334 = tpu.vector_load_idx %arg5[%add3A_333] : memref<320xf32, #tpu.memory_space<vmem>>[vector<16xi32>], vector<16xf32>,
          %add3A_335 = arith.constant 24 : i32
          %add3A_336 = vector.broadcast %add3A_335 : i32 to vector<16xi32>
          %add3A_337 = arith.addi %add3A_162, %add3A_336 : vector<16xi32>
          tpu.vector_store_idx %arg8[%add3A_337], %gather3A_334 : memref<32768xf32, #tpu.memory_space<vmem>>[vector<16xi32>], vector<16xf32>,
          %add3A_338 = arith.constant 250 : i32
          %add3A_339 = vector.broadcast %add3A_338 : i32 to vector<16xi32>
          %add3A_340 = arith.addi %add3A_158, %add3A_339 : vector<16xi32>
          %gather3A_341 = tpu.vector_load_idx %arg5[%add3A_340] : memref<320xf32, #tpu.memory_space<vmem>>[vector<16xi32>], vector<16xf32>,
          %add3A_342 = arith.constant 25 : i32
          %add3A_343 = vector.broadcast %add3A_342 : i32 to vector<16xi32>
          %add3A_344 = arith.addi %add3A_162, %add3A_343 : vector<16xi32>
          tpu.vector_store_idx %arg8[%add3A_344], %gather3A_341 : memref<32768xf32, #tpu.memory_space<vmem>>[vector<16xi32>], vector<16xf32>,
          %add3A_345 = arith.constant 260 : i32
          %add3A_346 = vector.broadcast %add3A_345 : i32 to vector<16xi32>
          %add3A_347 = arith.addi %add3A_158, %add3A_346 : vector<16xi32>
          %gather3A_348 = tpu.vector_load_idx %arg5[%add3A_347] : memref<320xf32, #tpu.memory_space<vmem>>[vector<16xi32>], vector<16xf32>,
          %add3A_349 = arith.constant 26 : i32
          %add3A_350 = vector.broadcast %add3A_349 : i32 to vector<16xi32>
          %add3A_351 = arith.addi %add3A_162, %add3A_350 : vector<16xi32>
          tpu.vector_store_idx %arg8[%add3A_351], %gather3A_348 : memref<32768xf32, #tpu.memory_space<vmem>>[vector<16xi32>], vector<16xf32>,
          %add3A_352 = arith.constant 270 : i32
          %add3A_353 = vector.broadcast %add3A_352 : i32 to vector<16xi32>
          %add3A_354 = arith.addi %add3A_158, %add3A_353 : vector<16xi32>
          %gather3A_355 = tpu.vector_load_idx %arg5[%add3A_354] : memref<320xf32, #tpu.memory_space<vmem>>[vector<16xi32>], vector<16xf32>,
          %add3A_356 = arith.constant 27 : i32
          %add3A_357 = vector.broadcast %add3A_356 : i32 to vector<16xi32>
          %add3A_358 = arith.addi %add3A_162, %add3A_357 : vector<16xi32>
          tpu.vector_store_idx %arg8[%add3A_358], %gather3A_355 : memref<32768xf32, #tpu.memory_space<vmem>>[vector<16xi32>], vector<16xf32>,
          %add3A_359 = arith.constant 280 : i32
          %add3A_360 = vector.broadcast %add3A_359 : i32 to vector<16xi32>
          %add3A_361 = arith.addi %add3A_158, %add3A_360 : vector<16xi32>
          %gather3A_362 = tpu.vector_load_idx %arg5[%add3A_361] : memref<320xf32, #tpu.memory_space<vmem>>[vector<16xi32>], vector<16xf32>,
          %add3A_363 = arith.constant 28 : i32
          %add3A_364 = vector.broadcast %add3A_363 : i32 to vector<16xi32>
          %add3A_365 = arith.addi %add3A_162, %add3A_364 : vector<16xi32>
          tpu.vector_store_idx %arg8[%add3A_365], %gather3A_362 : memref<32768xf32, #tpu.memory_space<vmem>>[vector<16xi32>], vector<16xf32>,
          %add3A_366 = arith.constant 290 : i32
          %add3A_367 = vector.broadcast %add3A_366 : i32 to vector<16xi32>
          %add3A_368 = arith.addi %add3A_158, %add3A_367 : vector<16xi32>
          %gather3A_369 = tpu.vector_load_idx %arg5[%add3A_368] : memref<320xf32, #tpu.memory_space<vmem>>[vector<16xi32>], vector<16xf32>,
          %add3A_370 = arith.constant 29 : i32
          %add3A_371 = vector.broadcast %add3A_370 : i32 to vector<16xi32>
          %add3A_372 = arith.addi %add3A_162, %add3A_371 : vector<16xi32>
          tpu.vector_store_idx %arg8[%add3A_372], %gather3A_369 : memref<32768xf32, #tpu.memory_space<vmem>>[vector<16xi32>], vector<16xf32>,
          %add3A_373 = arith.constant 300 : i32
          %add3A_374 = vector.broadcast %add3A_373 : i32 to vector<16xi32>
          %add3A_375 = arith.addi %add3A_158, %add3A_374 : vector<16xi32>
          %gather3A_376 = tpu.vector_load_idx %arg5[%add3A_375] : memref<320xf32, #tpu.memory_space<vmem>>[vector<16xi32>], vector<16xf32>,
          %add3A_377 = arith.constant 30 : i32
          %add3A_378 = vector.broadcast %add3A_377 : i32 to vector<16xi32>
          %add3A_379 = arith.addi %add3A_162, %add3A_378 : vector<16xi32>
          tpu.vector_store_idx %arg8[%add3A_379], %gather3A_376 : memref<32768xf32, #tpu.memory_space<vmem>>[vector<16xi32>], vector<16xf32>,
          %add3A_380 = arith.constant 310 : i32
          %add3A_381 = vector.broadcast %add3A_380 : i32 to vector<16xi32>
          %add3A_382 = arith.addi %add3A_158, %add3A_381 : vector<16xi32>
          %gather3A_383 = tpu.vector_load_idx %arg5[%add3A_382] : memref<320xf32, #tpu.memory_space<vmem>>[vector<16xi32>], vector<16xf32>,
          %add3A_384 = arith.constant 31 : i32
          %add3A_385 = vector.broadcast %add3A_384 : i32 to vector<16xi32>
          %add3A_386 = arith.addi %add3A_162, %add3A_385 : vector<16xi32>
          tpu.vector_store_idx %arg8[%add3A_386], %gather3A_383 : memref<32768xf32, #tpu.memory_space<vmem>>[vector<16xi32>], vector<16xf32>,
        }
        %scan3A_80 = arith.constant 64 : i32
        %mul3A_81 = arith.constant 1024 : i32
        %mul3A_82 = arith.muli %scan3A_26, %mul3A_81 : i32
        %add3A_83 = arith.addi %mul3A_8, %mul3A_82 : i32
        %mul3A_84 = arith.constant 32 : i32
        %mul3A_85 = arith.muli %add3A_83, %mul3A_84 : i32
        %dma_start3A_86 = tpu.memref_slice %arg4[%mul3A_85] : memref<26214400xf32, #tpu.memory_space<hbm>> -> memref<32768xf32, #tpu.memory_space<hbm>>
        %dma_start3A_87 = tpu.memref_slice %arg4[%mul3A_85] : memref<26214400xf32, #tpu.memory_space<hbm>> -> memref<32768xf32, #tpu.memory_space<hbm>>
        tpu.enqueue_dma source(%arg8 : memref<32768xf32, #tpu.memory_space<vmem>>) target(%dma_start3A_87 : memref<32768xf32, #tpu.memory_space<hbm>>) target_semaphore(%arg12 : memref<!tpu.dma_semaphore, #tpu.memory_space<semaphore_mem>>)
      } else {
      }
      %jit3A_39 = arith.constant 2 : i32
      %eq3A_40 = arith.constant 0 : i32
      %eq3A_41 = arith.cmpi eq, %jit3A_39, %eq3A_40 : i32
      %jit3A_42 = arith.constant 1 : i32
      %select_n3A_43 = arith.select %eq3A_41, %jit3A_42, %jit3A_39 : i32
      %rem3A_44 = arith.remsi %scan3A_26, %select_n3A_43 : i32
      %ne3A_45 = arith.constant 0 : i32
      %ne3A_46 = arith.cmpi ne, %rem3A_44, %ne3A_45 : i32
      %lt3A_47 = arith.constant 0 : i32
      %lt3A_48 = arith.cmpi slt, %rem3A_44, %lt3A_47 : i32
      %lt3A_49 = arith.constant 0 : i32
      %lt3A_50 = arith.cmpi slt, %select_n3A_43, %lt3A_49 : i32
      %ne3A_51 = arith.xori %lt3A_48, %lt3A_50 : i1
      %and3A_52 = arith.andi %ne3A_51, %ne3A_46 : i1
      %add3A_53 = arith.addi %rem3A_44, %select_n3A_43 : i32
      %select_n3A_54 = arith.select %and3A_52, %add3A_53, %rem3A_44 : i32
      %eq3A_55 = arith.constant 1 : i32
      %eq3A_56 = arith.cmpi eq, %select_n3A_54, %eq3A_55 : i32
      %convert_element_type3A_57 = arith.extui %eq3A_56 : i1 to i32
      %cond3A_58 = arith.constant 0 : i32
      %cond3A_59 = arith.cmpi ne, %convert_element_type3A_57, %cond3A_58 : i32
      scf.if %cond3A_59 {
        %dma_wait3A_60 = arith.constant 0 : i32
        %dma_wait3A_61 = tpu.memref_slice %arg2[%dma_wait3A_60] : memref<22118400xf32, #tpu.memory_space<hbm>> -> memref<27648xf32, #tpu.memory_space<hbm>>
        %dma_wait3A_62 = arith.constant 0 : i32
        %dma_wait3A_63 = tpu.memref_slice %arg2[%dma_wait3A_62] : memref<22118400xf32, #tpu.memory_space<hbm>> -> memref<27648xf32, #tpu.memory_space<hbm>>
        tpu.wait_dma2 semaphore(%arg11 : memref<!tpu.dma_semaphore, #tpu.memory_space<semaphore_mem>>) src(%dma_wait3A_63 : memref<27648xf32, #tpu.memory_space<hbm>>) dst(%arg7 : memref<27648xf32, #tpu.memory_space<vmem>>)
        %add3A_64 = arith.constant 1 : i32
        %add3A_65 = arith.addi %scan3A_26, %add3A_64 : i32
        %lt3A_66 = arith.constant 25 : i32
        %lt3A_67 = arith.cmpi slt, %add3A_65, %lt3A_66 : i32
        %convert_element_type3A_68 = arith.extui %lt3A_67 : i1 to i32
        %cond3A_69 = arith.constant 0 : i32
        %cond3A_70 = arith.cmpi ne, %convert_element_type3A_68, %cond3A_69 : i32
        scf.if %cond3A_70 {
          %add3A_88 = arith.constant 1 : i32
          %add3A_89 = arith.addi %scan3A_26, %add3A_88 : i32
          %mul3A_90 = arith.constant 1024 : i32
          %mul3A_91 = arith.muli %add3A_89, %mul3A_90 : i32
          %add3A_92 = arith.addi %mul3A_8, %mul3A_91 : i32
          %mul3A_93 = arith.constant 27 : i32
          %mul3A_94 = arith.muli %add3A_92, %mul3A_93 : i32
          %dma_start3A_95 = tpu.memref_slice %arg2[%mul3A_94] : memref<22118400xf32, #tpu.memory_space<hbm>> -> memref<27648xf32, #tpu.memory_space<hbm>>
          %dma_start3A_96 = tpu.memref_slice %arg2[%mul3A_94] : memref<22118400xf32, #tpu.memory_space<hbm>> -> memref<27648xf32, #tpu.memory_space<hbm>>
          tpu.enqueue_dma source(%dma_start3A_96 : memref<27648xf32, #tpu.memory_space<hbm>>) target(%arg6 : memref<27648xf32, #tpu.memory_space<vmem>>) target_semaphore(%arg10 : memref<!tpu.dma_semaphore, #tpu.memory_space<semaphore_mem>>)
        } else {
        }
        %ge3A = arith.constant 2 : i32
        %ge3A_71 = arith.cmpi sge, %scan3A_26, %ge3A : i32
        %convert_element_type3A_72 = arith.extui %ge3A_71 : i1 to i32
        %cond3A_73 = arith.constant 0 : i32
        %cond3A_74 = arith.cmpi ne, %convert_element_type3A_72, %cond3A_73 : i32
        scf.if %cond3A_74 {
          %dma_wait3A_88 = arith.constant 0 : i32
          %dma_wait3A_89 = tpu.memref_slice %arg4[%dma_wait3A_88] : memref<26214400xf32, #tpu.memory_space<hbm>> -> memref<32768xf32, #tpu.memory_space<hbm>>
          %dma_wait3A_90 = arith.constant 0 : i32
          %dma_wait3A_91 = tpu.memref_slice %arg4[%dma_wait3A_90] : memref<26214400xf32, #tpu.memory_space<hbm>> -> memref<32768xf32, #tpu.memory_space<hbm>>
          tpu.wait_dma2 semaphore(%arg13 : memref<!tpu.dma_semaphore, #tpu.memory_space<semaphore_mem>>) src(%arg9 : memref<32768xf32, #tpu.memory_space<vmem>>) dst(%dma_wait3A_91 : memref<32768xf32, #tpu.memory_space<hbm>>)
        } else {
        }
        %scan3A_75 = arith.constant 0 : i32
        %scan3A_76 = arith.constant 0 : i32
        %scan3A_77 = arith.constant 64 : i32
        %scan3A_78 = arith.addi %scan3A_76, %scan3A_77 : i32
        %scan3A_79 = arith.constant 1 : i32
        scf.for %scan3A_88 = %scan3A_76 to %scan3A_78 step %scan3A_79  : i32 {
          %mul3A_89 = arith.constant 432 : i32
          %mul3A_90 = arith.muli %scan3A_88, %mul3A_89 : i32
          %add3A_91 = arith.constant 10 : i32
          %add3A_92 = arith.addi %mul3A_90, %add3A_91 : i32
          %add3A_93 = vector.broadcast %add3A_92 : i32 to vector<16xi32>
          %add3A_94 = arith.addi %mul3A_3, %add3A_93 : vector<16xi32>
          %gather3A = tpu.vector_load_idx %arg7[%add3A_94] : memref<27648xf32, #tpu.memory_space<vmem>>[vector<16xi32>], vector<16xf32>,
          %mul3A_95 = arith.constant 432 : i32
          %mul3A_96 = arith.muli %scan3A_88, %mul3A_95 : i32
          %add3A_97 = arith.constant 10 : i32
          %add3A_98 = arith.addi %mul3A_96, %add3A_97 : i32
          %add3A_99 = arith.constant 1 : i32
          %add3A_100 = arith.addi %add3A_98, %add3A_99 : i32
          %add3A_101 = vector.broadcast %add3A_100 : i32 to vector<16xi32>
          %add3A_102 = arith.addi %mul3A_3, %add3A_101 : vector<16xi32>
          %gather3A_103 = tpu.vector_load_idx %arg7[%add3A_102] : memref<27648xf32, #tpu.memory_space<vmem>>[vector<16xi32>], vector<16xf32>,
          %broadcast_in_dim3A = arith.constant 0 : i32
          %broadcast_in_dim3A_104 = vector.broadcast %broadcast_in_dim3A : i32 to vector<16xi32>
          %mul3A_105 = arith.constant 0.000000e+00 : f32
          %mul3A_106 = vector.broadcast %mul3A_105 : f32 to vector<16xf32>
          %mul3A_107 = arith.mulf %gather3A_103, %mul3A_106 : vector<16xf32>
          %lt3A_108 = arith.cmpf olt, %mul3A_107, %gather3A : vector<16xf32>
          %convert_element_type3A_109 = arith.extui %lt3A_108 : vector<16xi1> to vector<16xi32>
          %add3A_110 = arith.addi %broadcast_in_dim3A_104, %convert_element_type3A_109 : vector<16xi32>
          %mul3A_111 = arith.constant 1.250000e-01 : f32
          %mul3A_112 = vector.broadcast %mul3A_111 : f32 to vector<16xf32>
          %mul3A_113 = arith.mulf %gather3A_103, %mul3A_112 : vector<16xf32>
          %lt3A_114 = arith.cmpf olt, %mul3A_113, %gather3A : vector<16xf32>
          %convert_element_type3A_115 = arith.extui %lt3A_114 : vector<16xi1> to vector<16xi32>
          %add3A_116 = arith.addi %add3A_110, %convert_element_type3A_115 : vector<16xi32>
          %mul3A_117 = arith.constant 2.500000e-01 : f32
          %mul3A_118 = vector.broadcast %mul3A_117 : f32 to vector<16xf32>
          %mul3A_119 = arith.mulf %gather3A_103, %mul3A_118 : vector<16xf32>
          %lt3A_120 = arith.cmpf olt, %mul3A_119, %gather3A : vector<16xf32>
          %convert_element_type3A_121 = arith.extui %lt3A_120 : vector<16xi1> to vector<16xi32>
          %add3A_122 = arith.addi %add3A_116, %convert_element_type3A_121 : vector<16xi32>
          %mul3A_123 = arith.constant 3.750000e-01 : f32
          %mul3A_124 = vector.broadcast %mul3A_123 : f32 to vector<16xf32>
          %mul3A_125 = arith.mulf %gather3A_103, %mul3A_124 : vector<16xf32>
          %lt3A_126 = arith.cmpf olt, %mul3A_125, %gather3A : vector<16xf32>
          %convert_element_type3A_127 = arith.extui %lt3A_126 : vector<16xi1> to vector<16xi32>
          %add3A_128 = arith.addi %add3A_122, %convert_element_type3A_127 : vector<16xi32>
          %mul3A_129 = arith.constant 5.000000e-01 : f32
          %mul3A_130 = vector.broadcast %mul3A_129 : f32 to vector<16xf32>
          %mul3A_131 = arith.mulf %gather3A_103, %mul3A_130 : vector<16xf32>
          %lt3A_132 = arith.cmpf olt, %mul3A_131, %gather3A : vector<16xf32>
          %convert_element_type3A_133 = arith.extui %lt3A_132 : vector<16xi1> to vector<16xi32>
          %add3A_134 = arith.addi %add3A_128, %convert_element_type3A_133 : vector<16xi32>
          %mul3A_135 = arith.constant 6.250000e-01 : f32
          %mul3A_136 = vector.broadcast %mul3A_135 : f32 to vector<16xf32>
          %mul3A_137 = arith.mulf %gather3A_103, %mul3A_136 : vector<16xf32>
          %lt3A_138 = arith.cmpf olt, %mul3A_137, %gather3A : vector<16xf32>
          %convert_element_type3A_139 = arith.extui %lt3A_138 : vector<16xi1> to vector<16xi32>
          %add3A_140 = arith.addi %add3A_134, %convert_element_type3A_139 : vector<16xi32>
          %mul3A_141 = arith.constant 7.500000e-01 : f32
          %mul3A_142 = vector.broadcast %mul3A_141 : f32 to vector<16xf32>
          %mul3A_143 = arith.mulf %gather3A_103, %mul3A_142 : vector<16xf32>
          %lt3A_144 = arith.cmpf olt, %mul3A_143, %gather3A : vector<16xf32>
          %convert_element_type3A_145 = arith.extui %lt3A_144 : vector<16xi1> to vector<16xi32>
          %add3A_146 = arith.addi %add3A_140, %convert_element_type3A_145 : vector<16xi32>
          %mul3A_147 = arith.constant 8.750000e-01 : f32
          %mul3A_148 = vector.broadcast %mul3A_147 : f32 to vector<16xf32>
          %mul3A_149 = arith.mulf %gather3A_103, %mul3A_148 : vector<16xf32>
          %lt3A_150 = arith.cmpf olt, %mul3A_149, %gather3A : vector<16xf32>
          %convert_element_type3A_151 = arith.extui %lt3A_150 : vector<16xi1> to vector<16xi32>
          %add3A_152 = arith.addi %add3A_146, %convert_element_type3A_151 : vector<16xi32>
          %mul3A_153 = arith.constant 1.000000e+00 : f32
          %mul3A_154 = vector.broadcast %mul3A_153 : f32 to vector<16xf32>
          %mul3A_155 = arith.mulf %gather3A_103, %mul3A_154 : vector<16xf32>
          %lt3A_156 = arith.cmpf olt, %mul3A_155, %gather3A : vector<16xf32>
          %convert_element_type3A_157 = arith.extui %lt3A_156 : vector<16xi1> to vector<16xi32>
          %add3A_158 = arith.addi %add3A_152, %convert_element_type3A_157 : vector<16xi32>
          %mul3A_159 = arith.constant 512 : i32
          %mul3A_160 = arith.muli %scan3A_88, %mul3A_159 : i32
          %add3A_161 = vector.broadcast %mul3A_160 : i32 to vector<16xi32>
          %add3A_162 = arith.addi %mul3A_6, %add3A_161 : vector<16xi32>
          %add3A_163 = arith.constant 0 : i32
          %add3A_164 = vector.broadcast %add3A_163 : i32 to vector<16xi32>
          %add3A_165 = arith.addi %add3A_158, %add3A_164 : vector<16xi32>
          %gather3A_166 = tpu.vector_load_idx %arg5[%add3A_165] : memref<320xf32, #tpu.memory_space<vmem>>[vector<16xi32>], vector<16xf32>,
          %add3A_167 = arith.constant 0 : i32
          %add3A_168 = vector.broadcast %add3A_167 : i32 to vector<16xi32>
          %add3A_169 = arith.addi %add3A_162, %add3A_168 : vector<16xi32>
          tpu.vector_store_idx %arg9[%add3A_169], %gather3A_166 : memref<32768xf32, #tpu.memory_space<vmem>>[vector<16xi32>], vector<16xf32>,
          %add3A_170 = arith.constant 10 : i32
          %add3A_171 = vector.broadcast %add3A_170 : i32 to vector<16xi32>
          %add3A_172 = arith.addi %add3A_158, %add3A_171 : vector<16xi32>
          %gather3A_173 = tpu.vector_load_idx %arg5[%add3A_172] : memref<320xf32, #tpu.memory_space<vmem>>[vector<16xi32>], vector<16xf32>,
          %add3A_174 = arith.constant 1 : i32
          %add3A_175 = vector.broadcast %add3A_174 : i32 to vector<16xi32>
          %add3A_176 = arith.addi %add3A_162, %add3A_175 : vector<16xi32>
          tpu.vector_store_idx %arg9[%add3A_176], %gather3A_173 : memref<32768xf32, #tpu.memory_space<vmem>>[vector<16xi32>], vector<16xf32>,
          %add3A_177 = arith.constant 20 : i32
          %add3A_178 = vector.broadcast %add3A_177 : i32 to vector<16xi32>
          %add3A_179 = arith.addi %add3A_158, %add3A_178 : vector<16xi32>
          %gather3A_180 = tpu.vector_load_idx %arg5[%add3A_179] : memref<320xf32, #tpu.memory_space<vmem>>[vector<16xi32>], vector<16xf32>,
          %add3A_181 = arith.constant 2 : i32
          %add3A_182 = vector.broadcast %add3A_181 : i32 to vector<16xi32>
          %add3A_183 = arith.addi %add3A_162, %add3A_182 : vector<16xi32>
          tpu.vector_store_idx %arg9[%add3A_183], %gather3A_180 : memref<32768xf32, #tpu.memory_space<vmem>>[vector<16xi32>], vector<16xf32>,
          %add3A_184 = arith.constant 30 : i32
          %add3A_185 = vector.broadcast %add3A_184 : i32 to vector<16xi32>
          %add3A_186 = arith.addi %add3A_158, %add3A_185 : vector<16xi32>
          %gather3A_187 = tpu.vector_load_idx %arg5[%add3A_186] : memref<320xf32, #tpu.memory_space<vmem>>[vector<16xi32>], vector<16xf32>,
          %add3A_188 = arith.constant 3 : i32
          %add3A_189 = vector.broadcast %add3A_188 : i32 to vector<16xi32>
          %add3A_190 = arith.addi %add3A_162, %add3A_189 : vector<16xi32>
          tpu.vector_store_idx %arg9[%add3A_190], %gather3A_187 : memref<32768xf32, #tpu.memory_space<vmem>>[vector<16xi32>], vector<16xf32>,
          %add3A_191 = arith.constant 40 : i32
          %add3A_192 = vector.broadcast %add3A_191 : i32 to vector<16xi32>
          %add3A_193 = arith.addi %add3A_158, %add3A_192 : vector<16xi32>
          %gather3A_194 = tpu.vector_load_idx %arg5[%add3A_193] : memref<320xf32, #tpu.memory_space<vmem>>[vector<16xi32>], vector<16xf32>,
          %add3A_195 = arith.constant 4 : i32
          %add3A_196 = vector.broadcast %add3A_195 : i32 to vector<16xi32>
          %add3A_197 = arith.addi %add3A_162, %add3A_196 : vector<16xi32>
          tpu.vector_store_idx %arg9[%add3A_197], %gather3A_194 : memref<32768xf32, #tpu.memory_space<vmem>>[vector<16xi32>], vector<16xf32>,
          %add3A_198 = arith.constant 50 : i32
          %add3A_199 = vector.broadcast %add3A_198 : i32 to vector<16xi32>
          %add3A_200 = arith.addi %add3A_158, %add3A_199 : vector<16xi32>
          %gather3A_201 = tpu.vector_load_idx %arg5[%add3A_200] : memref<320xf32, #tpu.memory_space<vmem>>[vector<16xi32>], vector<16xf32>,
          %add3A_202 = arith.constant 5 : i32
          %add3A_203 = vector.broadcast %add3A_202 : i32 to vector<16xi32>
          %add3A_204 = arith.addi %add3A_162, %add3A_203 : vector<16xi32>
          tpu.vector_store_idx %arg9[%add3A_204], %gather3A_201 : memref<32768xf32, #tpu.memory_space<vmem>>[vector<16xi32>], vector<16xf32>,
          %add3A_205 = arith.constant 60 : i32
          %add3A_206 = vector.broadcast %add3A_205 : i32 to vector<16xi32>
          %add3A_207 = arith.addi %add3A_158, %add3A_206 : vector<16xi32>
          %gather3A_208 = tpu.vector_load_idx %arg5[%add3A_207] : memref<320xf32, #tpu.memory_space<vmem>>[vector<16xi32>], vector<16xf32>,
          %add3A_209 = arith.constant 6 : i32
          %add3A_210 = vector.broadcast %add3A_209 : i32 to vector<16xi32>
          %add3A_211 = arith.addi %add3A_162, %add3A_210 : vector<16xi32>
          tpu.vector_store_idx %arg9[%add3A_211], %gather3A_208 : memref<32768xf32, #tpu.memory_space<vmem>>[vector<16xi32>], vector<16xf32>,
          %add3A_212 = arith.constant 70 : i32
          %add3A_213 = vector.broadcast %add3A_212 : i32 to vector<16xi32>
          %add3A_214 = arith.addi %add3A_158, %add3A_213 : vector<16xi32>
          %gather3A_215 = tpu.vector_load_idx %arg5[%add3A_214] : memref<320xf32, #tpu.memory_space<vmem>>[vector<16xi32>], vector<16xf32>,
          %add3A_216 = arith.constant 7 : i32
          %add3A_217 = vector.broadcast %add3A_216 : i32 to vector<16xi32>
          %add3A_218 = arith.addi %add3A_162, %add3A_217 : vector<16xi32>
          tpu.vector_store_idx %arg9[%add3A_218], %gather3A_215 : memref<32768xf32, #tpu.memory_space<vmem>>[vector<16xi32>], vector<16xf32>,
          %add3A_219 = arith.constant 80 : i32
          %add3A_220 = vector.broadcast %add3A_219 : i32 to vector<16xi32>
          %add3A_221 = arith.addi %add3A_158, %add3A_220 : vector<16xi32>
          %gather3A_222 = tpu.vector_load_idx %arg5[%add3A_221] : memref<320xf32, #tpu.memory_space<vmem>>[vector<16xi32>], vector<16xf32>,
          %add3A_223 = arith.constant 8 : i32
          %add3A_224 = vector.broadcast %add3A_223 : i32 to vector<16xi32>
          %add3A_225 = arith.addi %add3A_162, %add3A_224 : vector<16xi32>
          tpu.vector_store_idx %arg9[%add3A_225], %gather3A_222 : memref<32768xf32, #tpu.memory_space<vmem>>[vector<16xi32>], vector<16xf32>,
          %add3A_226 = arith.constant 90 : i32
          %add3A_227 = vector.broadcast %add3A_226 : i32 to vector<16xi32>
          %add3A_228 = arith.addi %add3A_158, %add3A_227 : vector<16xi32>
          %gather3A_229 = tpu.vector_load_idx %arg5[%add3A_228] : memref<320xf32, #tpu.memory_space<vmem>>[vector<16xi32>], vector<16xf32>,
          %add3A_230 = arith.constant 9 : i32
          %add3A_231 = vector.broadcast %add3A_230 : i32 to vector<16xi32>
          %add3A_232 = arith.addi %add3A_162, %add3A_231 : vector<16xi32>
          tpu.vector_store_idx %arg9[%add3A_232], %gather3A_229 : memref<32768xf32, #tpu.memory_space<vmem>>[vector<16xi32>], vector<16xf32>,
          %add3A_233 = arith.constant 100 : i32
          %add3A_234 = vector.broadcast %add3A_233 : i32 to vector<16xi32>
          %add3A_235 = arith.addi %add3A_158, %add3A_234 : vector<16xi32>
          %gather3A_236 = tpu.vector_load_idx %arg5[%add3A_235] : memref<320xf32, #tpu.memory_space<vmem>>[vector<16xi32>], vector<16xf32>,
          %add3A_237 = arith.constant 10 : i32
          %add3A_238 = vector.broadcast %add3A_237 : i32 to vector<16xi32>
          %add3A_239 = arith.addi %add3A_162, %add3A_238 : vector<16xi32>
          tpu.vector_store_idx %arg9[%add3A_239], %gather3A_236 : memref<32768xf32, #tpu.memory_space<vmem>>[vector<16xi32>], vector<16xf32>,
          %add3A_240 = arith.constant 110 : i32
          %add3A_241 = vector.broadcast %add3A_240 : i32 to vector<16xi32>
          %add3A_242 = arith.addi %add3A_158, %add3A_241 : vector<16xi32>
          %gather3A_243 = tpu.vector_load_idx %arg5[%add3A_242] : memref<320xf32, #tpu.memory_space<vmem>>[vector<16xi32>], vector<16xf32>,
          %add3A_244 = arith.constant 11 : i32
          %add3A_245 = vector.broadcast %add3A_244 : i32 to vector<16xi32>
          %add3A_246 = arith.addi %add3A_162, %add3A_245 : vector<16xi32>
          tpu.vector_store_idx %arg9[%add3A_246], %gather3A_243 : memref<32768xf32, #tpu.memory_space<vmem>>[vector<16xi32>], vector<16xf32>,
          %add3A_247 = arith.constant 120 : i32
          %add3A_248 = vector.broadcast %add3A_247 : i32 to vector<16xi32>
          %add3A_249 = arith.addi %add3A_158, %add3A_248 : vector<16xi32>
          %gather3A_250 = tpu.vector_load_idx %arg5[%add3A_249] : memref<320xf32, #tpu.memory_space<vmem>>[vector<16xi32>], vector<16xf32>,
          %add3A_251 = arith.constant 12 : i32
          %add3A_252 = vector.broadcast %add3A_251 : i32 to vector<16xi32>
          %add3A_253 = arith.addi %add3A_162, %add3A_252 : vector<16xi32>
          tpu.vector_store_idx %arg9[%add3A_253], %gather3A_250 : memref<32768xf32, #tpu.memory_space<vmem>>[vector<16xi32>], vector<16xf32>,
          %add3A_254 = arith.constant 130 : i32
          %add3A_255 = vector.broadcast %add3A_254 : i32 to vector<16xi32>
          %add3A_256 = arith.addi %add3A_158, %add3A_255 : vector<16xi32>
          %gather3A_257 = tpu.vector_load_idx %arg5[%add3A_256] : memref<320xf32, #tpu.memory_space<vmem>>[vector<16xi32>], vector<16xf32>,
          %add3A_258 = arith.constant 13 : i32
          %add3A_259 = vector.broadcast %add3A_258 : i32 to vector<16xi32>
          %add3A_260 = arith.addi %add3A_162, %add3A_259 : vector<16xi32>
          tpu.vector_store_idx %arg9[%add3A_260], %gather3A_257 : memref<32768xf32, #tpu.memory_space<vmem>>[vector<16xi32>], vector<16xf32>,
          %add3A_261 = arith.constant 140 : i32
          %add3A_262 = vector.broadcast %add3A_261 : i32 to vector<16xi32>
          %add3A_263 = arith.addi %add3A_158, %add3A_262 : vector<16xi32>
          %gather3A_264 = tpu.vector_load_idx %arg5[%add3A_263] : memref<320xf32, #tpu.memory_space<vmem>>[vector<16xi32>], vector<16xf32>,
          %add3A_265 = arith.constant 14 : i32
          %add3A_266 = vector.broadcast %add3A_265 : i32 to vector<16xi32>
          %add3A_267 = arith.addi %add3A_162, %add3A_266 : vector<16xi32>
          tpu.vector_store_idx %arg9[%add3A_267], %gather3A_264 : memref<32768xf32, #tpu.memory_space<vmem>>[vector<16xi32>], vector<16xf32>,
          %add3A_268 = arith.constant 150 : i32
          %add3A_269 = vector.broadcast %add3A_268 : i32 to vector<16xi32>
          %add3A_270 = arith.addi %add3A_158, %add3A_269 : vector<16xi32>
          %gather3A_271 = tpu.vector_load_idx %arg5[%add3A_270] : memref<320xf32, #tpu.memory_space<vmem>>[vector<16xi32>], vector<16xf32>,
          %add3A_272 = arith.constant 15 : i32
          %add3A_273 = vector.broadcast %add3A_272 : i32 to vector<16xi32>
          %add3A_274 = arith.addi %add3A_162, %add3A_273 : vector<16xi32>
          tpu.vector_store_idx %arg9[%add3A_274], %gather3A_271 : memref<32768xf32, #tpu.memory_space<vmem>>[vector<16xi32>], vector<16xf32>,
          %add3A_275 = arith.constant 160 : i32
          %add3A_276 = vector.broadcast %add3A_275 : i32 to vector<16xi32>
          %add3A_277 = arith.addi %add3A_158, %add3A_276 : vector<16xi32>
          %gather3A_278 = tpu.vector_load_idx %arg5[%add3A_277] : memref<320xf32, #tpu.memory_space<vmem>>[vector<16xi32>], vector<16xf32>,
          %add3A_279 = arith.constant 16 : i32
          %add3A_280 = vector.broadcast %add3A_279 : i32 to vector<16xi32>
          %add3A_281 = arith.addi %add3A_162, %add3A_280 : vector<16xi32>
          tpu.vector_store_idx %arg9[%add3A_281], %gather3A_278 : memref<32768xf32, #tpu.memory_space<vmem>>[vector<16xi32>], vector<16xf32>,
          %add3A_282 = arith.constant 170 : i32
          %add3A_283 = vector.broadcast %add3A_282 : i32 to vector<16xi32>
          %add3A_284 = arith.addi %add3A_158, %add3A_283 : vector<16xi32>
          %gather3A_285 = tpu.vector_load_idx %arg5[%add3A_284] : memref<320xf32, #tpu.memory_space<vmem>>[vector<16xi32>], vector<16xf32>,
          %add3A_286 = arith.constant 17 : i32
          %add3A_287 = vector.broadcast %add3A_286 : i32 to vector<16xi32>
          %add3A_288 = arith.addi %add3A_162, %add3A_287 : vector<16xi32>
          tpu.vector_store_idx %arg9[%add3A_288], %gather3A_285 : memref<32768xf32, #tpu.memory_space<vmem>>[vector<16xi32>], vector<16xf32>,
          %add3A_289 = arith.constant 180 : i32
          %add3A_290 = vector.broadcast %add3A_289 : i32 to vector<16xi32>
          %add3A_291 = arith.addi %add3A_158, %add3A_290 : vector<16xi32>
          %gather3A_292 = tpu.vector_load_idx %arg5[%add3A_291] : memref<320xf32, #tpu.memory_space<vmem>>[vector<16xi32>], vector<16xf32>,
          %add3A_293 = arith.constant 18 : i32
          %add3A_294 = vector.broadcast %add3A_293 : i32 to vector<16xi32>
          %add3A_295 = arith.addi %add3A_162, %add3A_294 : vector<16xi32>
          tpu.vector_store_idx %arg9[%add3A_295], %gather3A_292 : memref<32768xf32, #tpu.memory_space<vmem>>[vector<16xi32>], vector<16xf32>,
          %add3A_296 = arith.constant 190 : i32
          %add3A_297 = vector.broadcast %add3A_296 : i32 to vector<16xi32>
          %add3A_298 = arith.addi %add3A_158, %add3A_297 : vector<16xi32>
          %gather3A_299 = tpu.vector_load_idx %arg5[%add3A_298] : memref<320xf32, #tpu.memory_space<vmem>>[vector<16xi32>], vector<16xf32>,
          %add3A_300 = arith.constant 19 : i32
          %add3A_301 = vector.broadcast %add3A_300 : i32 to vector<16xi32>
          %add3A_302 = arith.addi %add3A_162, %add3A_301 : vector<16xi32>
          tpu.vector_store_idx %arg9[%add3A_302], %gather3A_299 : memref<32768xf32, #tpu.memory_space<vmem>>[vector<16xi32>], vector<16xf32>,
          %add3A_303 = arith.constant 200 : i32
          %add3A_304 = vector.broadcast %add3A_303 : i32 to vector<16xi32>
          %add3A_305 = arith.addi %add3A_158, %add3A_304 : vector<16xi32>
          %gather3A_306 = tpu.vector_load_idx %arg5[%add3A_305] : memref<320xf32, #tpu.memory_space<vmem>>[vector<16xi32>], vector<16xf32>,
          %add3A_307 = arith.constant 20 : i32
          %add3A_308 = vector.broadcast %add3A_307 : i32 to vector<16xi32>
          %add3A_309 = arith.addi %add3A_162, %add3A_308 : vector<16xi32>
          tpu.vector_store_idx %arg9[%add3A_309], %gather3A_306 : memref<32768xf32, #tpu.memory_space<vmem>>[vector<16xi32>], vector<16xf32>,
          %add3A_310 = arith.constant 210 : i32
          %add3A_311 = vector.broadcast %add3A_310 : i32 to vector<16xi32>
          %add3A_312 = arith.addi %add3A_158, %add3A_311 : vector<16xi32>
          %gather3A_313 = tpu.vector_load_idx %arg5[%add3A_312] : memref<320xf32, #tpu.memory_space<vmem>>[vector<16xi32>], vector<16xf32>,
          %add3A_314 = arith.constant 21 : i32
          %add3A_315 = vector.broadcast %add3A_314 : i32 to vector<16xi32>
          %add3A_316 = arith.addi %add3A_162, %add3A_315 : vector<16xi32>
          tpu.vector_store_idx %arg9[%add3A_316], %gather3A_313 : memref<32768xf32, #tpu.memory_space<vmem>>[vector<16xi32>], vector<16xf32>,
          %add3A_317 = arith.constant 220 : i32
          %add3A_318 = vector.broadcast %add3A_317 : i32 to vector<16xi32>
          %add3A_319 = arith.addi %add3A_158, %add3A_318 : vector<16xi32>
          %gather3A_320 = tpu.vector_load_idx %arg5[%add3A_319] : memref<320xf32, #tpu.memory_space<vmem>>[vector<16xi32>], vector<16xf32>,
          %add3A_321 = arith.constant 22 : i32
          %add3A_322 = vector.broadcast %add3A_321 : i32 to vector<16xi32>
          %add3A_323 = arith.addi %add3A_162, %add3A_322 : vector<16xi32>
          tpu.vector_store_idx %arg9[%add3A_323], %gather3A_320 : memref<32768xf32, #tpu.memory_space<vmem>>[vector<16xi32>], vector<16xf32>,
          %add3A_324 = arith.constant 230 : i32
          %add3A_325 = vector.broadcast %add3A_324 : i32 to vector<16xi32>
          %add3A_326 = arith.addi %add3A_158, %add3A_325 : vector<16xi32>
          %gather3A_327 = tpu.vector_load_idx %arg5[%add3A_326] : memref<320xf32, #tpu.memory_space<vmem>>[vector<16xi32>], vector<16xf32>,
          %add3A_328 = arith.constant 23 : i32
          %add3A_329 = vector.broadcast %add3A_328 : i32 to vector<16xi32>
          %add3A_330 = arith.addi %add3A_162, %add3A_329 : vector<16xi32>
          tpu.vector_store_idx %arg9[%add3A_330], %gather3A_327 : memref<32768xf32, #tpu.memory_space<vmem>>[vector<16xi32>], vector<16xf32>,
          %add3A_331 = arith.constant 240 : i32
          %add3A_332 = vector.broadcast %add3A_331 : i32 to vector<16xi32>
          %add3A_333 = arith.addi %add3A_158, %add3A_332 : vector<16xi32>
          %gather3A_334 = tpu.vector_load_idx %arg5[%add3A_333] : memref<320xf32, #tpu.memory_space<vmem>>[vector<16xi32>], vector<16xf32>,
          %add3A_335 = arith.constant 24 : i32
          %add3A_336 = vector.broadcast %add3A_335 : i32 to vector<16xi32>
          %add3A_337 = arith.addi %add3A_162, %add3A_336 : vector<16xi32>
          tpu.vector_store_idx %arg9[%add3A_337], %gather3A_334 : memref<32768xf32, #tpu.memory_space<vmem>>[vector<16xi32>], vector<16xf32>,
          %add3A_338 = arith.constant 250 : i32
          %add3A_339 = vector.broadcast %add3A_338 : i32 to vector<16xi32>
          %add3A_340 = arith.addi %add3A_158, %add3A_339 : vector<16xi32>
          %gather3A_341 = tpu.vector_load_idx %arg5[%add3A_340] : memref<320xf32, #tpu.memory_space<vmem>>[vector<16xi32>], vector<16xf32>,
          %add3A_342 = arith.constant 25 : i32
          %add3A_343 = vector.broadcast %add3A_342 : i32 to vector<16xi32>
          %add3A_344 = arith.addi %add3A_162, %add3A_343 : vector<16xi32>
          tpu.vector_store_idx %arg9[%add3A_344], %gather3A_341 : memref<32768xf32, #tpu.memory_space<vmem>>[vector<16xi32>], vector<16xf32>,
          %add3A_345 = arith.constant 260 : i32
          %add3A_346 = vector.broadcast %add3A_345 : i32 to vector<16xi32>
          %add3A_347 = arith.addi %add3A_158, %add3A_346 : vector<16xi32>
          %gather3A_348 = tpu.vector_load_idx %arg5[%add3A_347] : memref<320xf32, #tpu.memory_space<vmem>>[vector<16xi32>], vector<16xf32>,
          %add3A_349 = arith.constant 26 : i32
          %add3A_350 = vector.broadcast %add3A_349 : i32 to vector<16xi32>
          %add3A_351 = arith.addi %add3A_162, %add3A_350 : vector<16xi32>
          tpu.vector_store_idx %arg9[%add3A_351], %gather3A_348 : memref<32768xf32, #tpu.memory_space<vmem>>[vector<16xi32>], vector<16xf32>,
          %add3A_352 = arith.constant 270 : i32
          %add3A_353 = vector.broadcast %add3A_352 : i32 to vector<16xi32>
          %add3A_354 = arith.addi %add3A_158, %add3A_353 : vector<16xi32>
          %gather3A_355 = tpu.vector_load_idx %arg5[%add3A_354] : memref<320xf32, #tpu.memory_space<vmem>>[vector<16xi32>], vector<16xf32>,
          %add3A_356 = arith.constant 27 : i32
          %add3A_357 = vector.broadcast %add3A_356 : i32 to vector<16xi32>
          %add3A_358 = arith.addi %add3A_162, %add3A_357 : vector<16xi32>
          tpu.vector_store_idx %arg9[%add3A_358], %gather3A_355 : memref<32768xf32, #tpu.memory_space<vmem>>[vector<16xi32>], vector<16xf32>,
          %add3A_359 = arith.constant 280 : i32
          %add3A_360 = vector.broadcast %add3A_359 : i32 to vector<16xi32>
          %add3A_361 = arith.addi %add3A_158, %add3A_360 : vector<16xi32>
          %gather3A_362 = tpu.vector_load_idx %arg5[%add3A_361] : memref<320xf32, #tpu.memory_space<vmem>>[vector<16xi32>], vector<16xf32>,
          %add3A_363 = arith.constant 28 : i32
          %add3A_364 = vector.broadcast %add3A_363 : i32 to vector<16xi32>
          %add3A_365 = arith.addi %add3A_162, %add3A_364 : vector<16xi32>
          tpu.vector_store_idx %arg9[%add3A_365], %gather3A_362 : memref<32768xf32, #tpu.memory_space<vmem>>[vector<16xi32>], vector<16xf32>,
          %add3A_366 = arith.constant 290 : i32
          %add3A_367 = vector.broadcast %add3A_366 : i32 to vector<16xi32>
          %add3A_368 = arith.addi %add3A_158, %add3A_367 : vector<16xi32>
          %gather3A_369 = tpu.vector_load_idx %arg5[%add3A_368] : memref<320xf32, #tpu.memory_space<vmem>>[vector<16xi32>], vector<16xf32>,
          %add3A_370 = arith.constant 29 : i32
          %add3A_371 = vector.broadcast %add3A_370 : i32 to vector<16xi32>
          %add3A_372 = arith.addi %add3A_162, %add3A_371 : vector<16xi32>
          tpu.vector_store_idx %arg9[%add3A_372], %gather3A_369 : memref<32768xf32, #tpu.memory_space<vmem>>[vector<16xi32>], vector<16xf32>,
          %add3A_373 = arith.constant 300 : i32
          %add3A_374 = vector.broadcast %add3A_373 : i32 to vector<16xi32>
          %add3A_375 = arith.addi %add3A_158, %add3A_374 : vector<16xi32>
          %gather3A_376 = tpu.vector_load_idx %arg5[%add3A_375] : memref<320xf32, #tpu.memory_space<vmem>>[vector<16xi32>], vector<16xf32>,
          %add3A_377 = arith.constant 30 : i32
          %add3A_378 = vector.broadcast %add3A_377 : i32 to vector<16xi32>
          %add3A_379 = arith.addi %add3A_162, %add3A_378 : vector<16xi32>
          tpu.vector_store_idx %arg9[%add3A_379], %gather3A_376 : memref<32768xf32, #tpu.memory_space<vmem>>[vector<16xi32>], vector<16xf32>,
          %add3A_380 = arith.constant 310 : i32
          %add3A_381 = vector.broadcast %add3A_380 : i32 to vector<16xi32>
          %add3A_382 = arith.addi %add3A_158, %add3A_381 : vector<16xi32>
          %gather3A_383 = tpu.vector_load_idx %arg5[%add3A_382] : memref<320xf32, #tpu.memory_space<vmem>>[vector<16xi32>], vector<16xf32>,
          %add3A_384 = arith.constant 31 : i32
          %add3A_385 = vector.broadcast %add3A_384 : i32 to vector<16xi32>
          %add3A_386 = arith.addi %add3A_162, %add3A_385 : vector<16xi32>
          tpu.vector_store_idx %arg9[%add3A_386], %gather3A_383 : memref<32768xf32, #tpu.memory_space<vmem>>[vector<16xi32>], vector<16xf32>,
        }
        %scan3A_80 = arith.constant 64 : i32
        %mul3A_81 = arith.constant 1024 : i32
        %mul3A_82 = arith.muli %scan3A_26, %mul3A_81 : i32
        %add3A_83 = arith.addi %mul3A_8, %mul3A_82 : i32
        %mul3A_84 = arith.constant 32 : i32
        %mul3A_85 = arith.muli %add3A_83, %mul3A_84 : i32
        %dma_start3A_86 = tpu.memref_slice %arg4[%mul3A_85] : memref<26214400xf32, #tpu.memory_space<hbm>> -> memref<32768xf32, #tpu.memory_space<hbm>>
        %dma_start3A_87 = tpu.memref_slice %arg4[%mul3A_85] : memref<26214400xf32, #tpu.memory_space<hbm>> -> memref<32768xf32, #tpu.memory_space<hbm>>
        tpu.enqueue_dma source(%arg9 : memref<32768xf32, #tpu.memory_space<vmem>>) target(%dma_start3A_87 : memref<32768xf32, #tpu.memory_space<hbm>>) target_semaphore(%arg13 : memref<!tpu.dma_semaphore, #tpu.memory_space<semaphore_mem>>)
      } else {
      }
    }
    %scan3A_18 = arith.constant 25 : i32
    %dma_wait3A = arith.constant 0 : i32
    %dma_wait3A_19 = tpu.memref_slice %arg4[%dma_wait3A] : memref<26214400xf32, #tpu.memory_space<hbm>> -> memref<32768xf32, #tpu.memory_space<hbm>>
    %dma_wait3A_20 = arith.constant 0 : i32
    %dma_wait3A_21 = tpu.memref_slice %arg4[%dma_wait3A_20] : memref<26214400xf32, #tpu.memory_space<hbm>> -> memref<32768xf32, #tpu.memory_space<hbm>>
    tpu.wait_dma2 semaphore(%arg13 : memref<!tpu.dma_semaphore, #tpu.memory_space<semaphore_mem>>) src(%arg9 : memref<32768xf32, #tpu.memory_space<vmem>>) dst(%dma_wait3A_21 : memref<32768xf32, #tpu.memory_space<hbm>>)
    %dma_wait3A_22 = arith.constant 0 : i32
    %dma_wait3A_23 = tpu.memref_slice %arg4[%dma_wait3A_22] : memref<26214400xf32, #tpu.memory_space<hbm>> -> memref<32768xf32, #tpu.memory_space<hbm>>
    %dma_wait3A_24 = arith.constant 0 : i32
    %dma_wait3A_25 = tpu.memref_slice %arg4[%dma_wait3A_24] : memref<26214400xf32, #tpu.memory_space<hbm>> -> memref<32768xf32, #tpu.memory_space<hbm>>
    tpu.wait_dma2 semaphore(%arg12 : memref<!tpu.dma_semaphore, #tpu.memory_space<semaphore_mem>>) src(%arg8 : memref<32768xf32, #tpu.memory_space<vmem>>) dst(%dma_wait3A_25 : memref<32768xf32, #tpu.memory_space<hbm>>)
    return
  }
}

</mosaic_0001>

<sc_bundles>
// kernel: kernel.3.cloned.1.call-start
scs
__scs_entry_jumppad:
0x0: {  	(pc) =	sbr.rel $0x88, $3  }
0x1: {  	(tag) =	ssettag $0x0;
	lr =	simm.s32 $0x1  }
0x2: {  	[smem:$0x3F9F] =	sst lr;
	_ =	strace $0xD0000000  }
0x3: {  	_ = 	snop  }
0x4: {  	_ = 	snop  }
0x5: {  	_ = 	snop  }
0x6: {  	_ = 	snop  }
0x7: {  	_ = 	snop  }
__scs_overlays_trampoline_lowered:
0x8: {  	[smem:$0x3FAE] =	sst s0  }
0x9: {  	[smem:$0x3FAF] =	sst s1  }
0xa: {  	[smem:$0x3FB0] =	sst s2  }
0xb: {  	[smem:$0x3FB1] =	sst s3  }
0xc: {  	[smem:$0x3FB2] =	sst s4  }
0xd: {  	[smem:$0x3FB3] =	sst s5  }
0xe: {  	[smem:$0x3FB4] =	sst s6  }
0xf: {  	[smem:$0x3FB5] =	sst s7  }
0x10: {  	[smem:$0x3FB6] =	sst s8  }
0x11: {  	[smem:$0x3FB7] =	sst s9;
	s0 =	simm.s32 @!p0 $0x0  }
0x12: {  	s1 =	sld [smem:$0x3F9D];
	s0 =	simm.s32 @p0 $0x1  }
0x13: {  	[smem:$0x3FB8] =	sst s0;
	s0 =	simm.s32 @!p1 $0x0  }
0x14: {  	s2 =	sld [smem:$0x3F9C];
	s0 =	simm.s32 @p1 $0x1  }
0x15: {  	[smem:$0x3FB9] =	sst s0;
	s0 =	simm.s32 @!p2 $0x0  }
0x16: {  	s3 =	sld [smem:$0x3FDB];
	s0 =	simm.s32 @p2 $0x1  }
0x17: {  	s4 =	simm.s32 $0x1BF5;
	[smem:$0x3FBB] =	sst s0  }
0x18: {  	s0 =	sld [smem:$0x3F9E];
	_ =	swait.ge [sflag:s4], $0x0  }
0x19: {  	s7 =	sld [smem:$0x3F9F]  }
0x1a: {  	s8 =	sadd.s32 $0xFFFFE003, lr  }
0x1b: {  	s9 =	sadd.s32 $0xFFFFFEF7, lr;
	s5 =	simm.s32 $0xFFFFFFFF;
	p2 =	slt.u32 s8, $0xFFFFF086  }
0x1c: {  	p1 =	slt.u32 s9, $0xF7A;
	s5 =	simm.s32 @!p2 $0x0  }
0x1d: {  	s5 =	simm.s32 @p1 $0x1;
	p0 =	seq.s32 s7, s2  }
0x1e: {  	s7 =	smul.u32 @!p0 $0xF7A, s2;
	p2 =	seq.s32 @!p0 s5, $0x0  }
0x1f: {  	s9 =	smul.u32 $0xF7A, s1;
	s8 =	simm.s32 @!p0 $0x1BF5;
	p2 =	por !p2, p0  }
0x20: {  	[sflag:s8] =	ssyncset.s32 @!p0 $0xFFFFF086;
	s6 =	sadd.s32 @!p0 s3, s7;
	s7 =	simm.s32 @!p0 $0x108  }
0x21: {  	s3 =	sadd.s32 s3, s9;
	s6 =	sadd.s32 @!p0 $0x88, s6;
	s7 =	simm.s32 @p2 $0x1082  }
0x22: {  	[simem:s7], [sflag:s8] =	dma.local @!p0 [hbm:s6], $0xF7A  }
0x23: {  	s9 =	sor.u32 $0xD0000000, s2;
	s6 =	simm.s32 $0x108;
	_ =	swait.ge @!p0 [sflag:s8], $0x0  }
0x24: {  	s3 =	sadd.s32 $0x88, s3;
	s6 =	simm.s32 @!p1 $0x1082;
	[sflag:s4] =	ssyncset.s32 $0xFFFFF086  }
0x25: {  	[simem:s6], [sflag:s4] =	dma.local [hbm:s3], $0xF7A  }
0x26: {  	[smem:$0x3F9F] =	sst s1;
	(tag) =	ssettag s2;
	_ =	strace s9  }
0x27: {  	s1 =	sld [smem:$0x3FAF]  }
0x28: {  	s2 =	sld [smem:$0x3FB0]  }
0x29: {  	s4 =	sld [smem:$0x3FB2]  }
0x2a: {  	p0 =	seq.s32 s5, $0x0;
	s5 =	sld [smem:$0x3FB3]  }
0x2b: {  	s6 =	sld [smem:$0x3FB4]  }
0x2c: {  	s7 =	sld [smem:$0x3FB5]  }
0x2d: {  	s3 =	simm.s32 $0x108;
	s8 =	sld [smem:$0x3FB6]  }
0x2e: {  	s3 =	simm.s32 @!p0 $0x1082;
	s9 =	sld [smem:$0x3FB7]  }
0x2f: {  	lr =	sadd.s32 s0, s3;
	s0 =	sld [smem:$0x3FAE]  }
0x30: {  	s3 =	sld [smem:$0x3FB1]  }
0x31: {  	[smem:$0x3FBA] =	sst s10  }
0x32: {  	s10 =	sld [smem:$0x3FB8];
	_ =	sdelay $0x3  }
0x33: {  	p0 =	seq.s32 s10, $0x1;
	s10 =	sld [smem:$0x3FBA];
	_ =	sdelay $0x3  }
0x34: {  	[smem:$0x3FBA] =	sst s10  }
0x35: {  	s10 =	sld [smem:$0x3FB9];
	_ =	sdelay $0x3  }
0x36: {  	p1 =	seq.s32 s10, $0x1;
	s10 =	sld [smem:$0x3FBA];
	_ =	sdelay $0x3  }
0x37: {  	[smem:$0x3FBA] =	sst s10  }
0x38: {  	s10 =	sld [smem:$0x3FBB]  }
0x39: {  	_ = 	snop;
	(pc) =	sbr.ind lr, $3  }
0x3a: {  	_ = 	snop  }
0x3b: {  	_ = 	snop  }
0x3c: {  	p2 =	seq.s32 s10, $0x1;
	s10 =	sld [smem:$0x3FBA]  }
0x3d: {  	_ =	shalt  }
0x3e: {  	_ =	shalt  }
0x3f: {  	_ =	shalt  }
0x40: {  	_ =	shalt  }
0x41: {  	_ =	shalt  }
0x42: {  	_ =	shalt  }
0x43: {  	_ =	shalt  }
0x44: {  	_ =	shalt  }
0x45: {  	_ =	shalt  }
0x46: {  	_ =	shalt  }
0x47: {  	_ =	shalt  }
0x48: {  	_ =	shalt  }
0x49: {  	_ =	shalt  }
0x4a: {  	_ =	shalt  }
0x4b: {  	_ =	shalt  }
0x4c: {  	_ =	shalt  }
0x4d: {  	_ =	shalt  }
0x4e: {  	_ =	shalt  }
0x4f: {  	_ =	shalt  }
0x50: {  	_ =	shalt  }
0x51: {  	_ =	shalt  }
0x52: {  	_ =	shalt  }
0x53: {  	_ =	shalt  }
0x54: {  	_ =	shalt  }
0x55: {  	_ =	shalt  }
0x56: {  	_ =	shalt  }
0x57: {  	_ =	shalt  }
0x58: {  	_ =	shalt  }
0x59: {  	_ =	shalt  }
0x5a: {  	_ =	shalt  }
0x5b: {  	_ =	shalt  }
0x5c: {  	_ =	shalt  }
0x5d: {  	_ =	shalt  }
0x5e: {  	_ =	shalt  }
0x5f: {  	_ =	shalt  }
0x60: {  	_ =	shalt  }
0x61: {  	_ =	shalt  }
0x62: {  	_ =	shalt  }
0x63: {  	_ =	shalt  }
0x64: {  	_ =	shalt  }
0x65: {  	_ =	shalt  }
0x66: {  	_ =	shalt  }
0x67: {  	_ =	shalt  }
0x68: {  	_ =	shalt  }
0x69: {  	_ =	shalt  }
0x6a: {  	_ =	shalt  }
0x6b: {  	_ =	shalt  }
0x6c: {  	_ =	shalt  }
0x6d: {  	_ =	shalt  }
0x6e: {  	_ =	shalt  }
0x6f: {  	_ =	shalt  }
0x70: {  	_ =	shalt  }
0x71: {  	_ =	shalt  }
0x72: {  	_ =	shalt  }
0x73: {  	_ =	shalt  }
0x74: {  	_ =	shalt  }
0x75: {  	_ =	shalt  }
0x76: {  	_ =	shalt  }
0x77: {  	_ =	shalt  }
0x78: {  	_ =	shalt  }
0x79: {  	_ =	shalt  }
0x7a: {  	_ =	shalt  }
0x7b: {  	_ =	shalt  }
0x7c: {  	_ =	shalt  }
0x7d: {  	_ =	shalt  }
0x7e: {  	_ =	shalt  }
0x7f: {  	_ =	shalt  }
0x80: {  	_ =	shalt  }
0x81: {  	_ =	shalt  }
0x82: {  	_ =	shalt  }
0x83: {  	_ =	shalt  }
0x84: {  	_ =	shalt  }
0x85: {  	_ =	shalt  }
0x86: {  	_ =	shalt  }
0x87: {  	_ =	shalt  }
.Lfunc_end0:
.L_simem_size_0:
called_computation.1_lowered:
.L_overlay_start_0:
0x88: {  	s2 =	sld [smem:$0x3FD9]  }
0x89: {  	s3 =	sld [smem:$0x3FFE];
	_ =	sdelay $0x1  }
0x8a: {  	s1 =	srdreg.scid  }
0x8b: {  	s0 =	sand.u32 $0x1, s1  }
0x8c: {  	s17 =	sshll.u32 s0, $0xA;
	s2 =	sadd.s32 s3, s2  }
0x8d: {  	s2 =	sadd.s32 s2, s17  }
0x8e: {  	[smem:$0x3FC6] =	sst s2  }
0x8f: {  	_ = 	snop  }
0x90: {  	s2 =	sld [smem:$0x3FD0];
	(tm) =	ssettm $0x1  }
0x91: {  	s18 =	sld [smem:$0x3FFB];
	_ =	sdelay $0x3  }
0x92: {  	_ =	strace s18  }
0x93: {  	s3 =	sld [smem:$0x3FFC];
	_ =	sdelay $0x3  }
0x94: {  	_ =	strace s3  }
0x95: {  	s3 =	sld [smem:$0x3FFD];
	_ =	sdelay $0x3  }
0x96: {  	_ =	strace s3  }
0x97: {  	_ =	strace $0x8FFFFFFF  }
0x98: {  	s19 =	sld [smem:$0x3FDB];
	_ =	sdelay $0x1  }
0x99: {  	s4 =	simm.s32 $_scs_section_size  }
0x9a: {  	s5 =	simm.s32 $_size__tile_overlayer_lowered;
	s6 =	simm.s32 $_tile_overlayer_lowered  }
0x9b: {  	s22 =	simm.s32 $0x1BFF;
	s21 =	sshll.u32 s6, $0x1;
	s3 =	sadd.s32 s4, s19  }
0x9c: {  	s7 =	simm.s32 $0x0;
	s20 =	sshll.u32 s5, $0x1;
	s5 =	sadd.s32 s21, s3  }
0x9d: {  	[timem:s7], [sflag:s22] =	dma.local [hbm:s5], s20  }
0x9e: {  	_ =	swait.ge [sflag:s22], s20  }
0x9f: {  	s4 =	ssub.s32 $0x0, s20;
	[sflag:s22] =	ssyncset.done $0x0  }
0xa0: {  	[sflag:s22] =	ssyncadd.s32 s4;
	_ =	sdelay $0x1  }
0xa1: {  	s23 =	simm.s32 $0x1B8B  }
0xa2: {  	_ =	swait.ge [sflag:s23], $0x1  }
0xa3: {  	[sflag:s23] =	ssyncset.done $0x0  }
0xa4: {  	s25 =	simm.s32 $0x1B8E;
	s24 =	sld [smem:$0x3FFE];
	[sflag:s23] =	ssyncadd.s32 $0xFFFFFFFF  }
0xa5: {  	s26 =	simm.s32 $execute0_lowered;
	[smem:$0x3FD2] =	sst s25  }
0xa6: {  	s5 =	sshll.u32 s26, $0x1;
	_ =	strace $0x80000046;
	[dreg:$0x1] =	wrdreg $0xFFFFFFFF  }
0xa7: {  	s28 =	simm.s32 $_size_execute0_lowered;
	s3 =	sadd.s32 s3, s5;
	[dreg:$0x0] =	wrdreg $0x0  }
0xa8: {  	s5 =	sshll.u32 s28, $0x1;
	[dreg:$0x2] =	wrdreg s3  }
0xa9: {  	[dreg:$0x3] =	wrdreg s5  }
0xaa: {  	[dreg:$0x4] =	wrdreg $0xC0  }
0xab: {  	_ =	task [dreg:s7], $0x5FFFF  }
0xac: {  	[dreg:$0x1] =	wrdreg $0xFFFFFFFF  }
0xad: {  	[dreg:$0x0] =	wrdreg $0x60  }
0xae: {  	[dreg:$0x2] =	wrdreg s24  }
0xaf: {  	[dreg:$0x3] =	wrdreg s2  }
0xb0: {  	[dreg:$0x4] =	wrdreg $0x9  }
0xb1: {  	_ =	task.clear_ibuf [dreg:s7], $0x5FFFF;
	_ =	strace $0x90000046  }
0xb2: {  	s29 =	simm.s32 $0x9;
	_ =	strace $0x80000048  }
0xb3: {  	_ =	swait.ge [sflag:s29], $0x1  }
0xb4: {  	[sflag:s29] =	ssyncadd.s32 $0xFFFFFFFF  }
0xb5: {  	_ =	strace $0x90000048  }
0xb6: {  	_ =	sfence  }
0xb7: {  	s30 =	sld [smem:$0x0];
	_ =	sdelay $0x2  }
0xb8: {  	s31 =	sshll.u32 s1, $0xD;
	s1 =	sshrl.u32 s1, $0x2  }
0xb9: {  	s3 =	sand.u32 $0x4000, s31;
	s1 =	sadd.s32 s1, s30  }
0xba: {  	s0 =	sor.u32 s3, s0;
	s1 =	sshll.u32 s1, $0x11  }
0xbb: {  	s0 =	sor.u32 s1, s0  }
0xbc: {  	s0 =	sadd.s32 $0x8F2B, s0  }
0xbd: {  	[sflag:s0] =	ssyncadd.remote.s32 $0x1  }
0xbe: {  	_ =	sfence.sel $0xFFFF  }
0xbf: {  	[dreg:$0x0] =	wrdreg $0xFFFFFFFF;
	(pc) =	sbr.abs _section_cstart, $3  }
0xc0: {  	[dreg:$0x1] =	wrdreg $0xFFFFFFFF  }
0xc1: {  	_ =	task.clear_ibuf [dreg:s7], $0x2FFFF;
	_ =	strace $0x9FFFFFFF  }
0xc2: {  	(tm) =	ssettm $0x7FFFFFFF  }
0xc3: {  	_ =	shalt  }
tec
execute0_lowered:
.L_overlay_start_1:
0x0: {  	(tag) =	ssettag $0x1  }
0x1: {  	v1 =	vlaneseq.u32  }
0x2: {  	v0 =	vmul.u32 $0x20, v1  }
0x3: {  	s5 =	rddreg [dreg:$0x0]  }
0x4: {  	s1 =	srdreg.scid;
	s0 =	stileid.u32;
	v2 =	vimm.s32 $0x0;
	v1 =	vmul.u32 $0x1B, v1;
	v3 =	vor.u32 $0x1, v0  }
0x5: {  	s2 =	rddreg [dreg:$0x1];
	s3 =	simm.s32 $0x0;
	s11 =	simm.s32 $0x140;
	v4 =	vor.u32 $0x2, v0;
	v5 =	vor.u32 $0x3, v0;
	v6 =	vor.u32 $0x4, v0  }
0x6: {  	s12 =	simm.s32 $0x2;
	s13 =	simm.s32 $0x4;
	s14 =	simm.s32 $0x6D40;
	v7 =	vor.u32 $0x5, v0;
	v8 =	vor.u32 $0x6, v0;
	v9 =	vor.u32 $0x7, v0  }
0x7: {  	s15 =	simm.s32 $0x15940;
	s16 =	simm.s32 $0x3;
	s17 =	simm.s32 $0x1;
	v10 =	vor.u32 $0x8, v0;
	v11 =	vor.u32 $0x9, v0;
	v12 =	vor.u32 $0xA, v0  }
0x8: {  	s18 =	simm.s32 $0xD940;
	s4 =	sand.u32 $0x1, s1;
	s1 =	rddreg [dreg:$0x2];
	v13 =	vor.u32 $0xB, v0;
	v14 =	vor.u32 $0xC, v0;
	v15 =	vor.u32 $0xD, v0  }
0x9: {  	s19 =	simm.s32 $0x0;
	s6 =	sshll.u32 s0, $0x1;
	[smem:$0x7FF] =	sst s3;
	v16 =	vor.u32 $0xE, v0;
	v17 =	vor.u32 $0xF, v0;
	v18 =	vor.u32 $0x10, v0  }
.Ltmp0:
0xa: {  	s8 =	sor.u32 s4, s6;
	_ =	strace $0x80000047;
	v19 =	vor.u32 $0x11, v0;
	v20 =	vor.u32 $0x12, v0;
	v21 =	vor.u32 $0x13, v0;
	(pc) =	sbr.rel .LBB2_1-.Ltmp0, $4  }
0xb: {  	s31 =	ssub.s32 $0x2, s4;
	s4 =	sadd.s32 $0xC80A00, s5;
	s9 =	smul.u32 $0x15180, s8;
	v22 =	vor.u32 $0x14, v0;
	v23 =	vor.u32 $0x15, v0;
	v24 =	vor.u32 $0x16, v0  }
0xc: {  	s5 =	sadd.s32 $0x800, s5;
	s7 =	smul.u32 $0x6400, s8;
	s10 =	sshrl.u32 s31, $0x1;
	v25 =	vor.u32 $0x17, v0;
	v26 =	vor.u32 $0x18, v0;
	v27 =	vor.u32 $0x19, v0  }
0xd: {  	s8 =	smul.u32 $0xC8000, s8;
	v28 =	vor.u32 $0x1A, v0;
	v29 =	vor.u32 $0x1B, v0;
	v30 =	vor.u32 $0x1C, v0;
	s10 =	ssub.s32 s31, s10;
	s6 =	sadd.s32 s4, s9  }
0xe: {  	v31 =	vor.u32 $0x1D, v0;
	v32 =	vor.u32 $0x1E, v0;
	v33 =	vor.u32 $0x1F, v0;
	s7 =	sadd.s32 $0x400, s7;
	s9 =	smax.u32 s10, $0x1;
	s10 =	simm.s32 $0x5  }
.LBB2_10:
0xf: {  	s19 =	sadd.s32 $0x1, s19  }
0x10: {  	_ =	swait.ge [sflag:s13], $0x8000;
	p0 =	sne.s32 s19, s9  }
.Ltmp1:
0x11: {  	[sflag:s13] =	ssyncset.done $0x0;
	(pc) =	sbr.rel @!p0 .LBB2_11-.Ltmp1, $4  }
0x12: {  	[sflag:s13] =	ssyncadd.s32 $0xFFFF8000  }
0x13: {  	_ =	swait.ge [sflag:s16], $0x8000  }
0x14: {  	[sflag:s16] =	ssyncset.done $0x0  }
0x15: {  	[sflag:s16] =	ssyncadd.s32 $0xFFFF8000  }
.LBB2_1:
0x16: {  	[tilespmem:s3], [sflag:$0x5] =	stream.linear.gather [hbm4b:s5+s3], $0x140, $0x38;
	[tilespmem:$0x1D940] =	vst v63  }
.Ltmp2:
0x17: {  	_ = 	snop;
	(pc) =	sbr.rel .LBB2_2-.Ltmp2, $4  }
0x18: {  	_ =	swait.ge [sflag:s10], $0x140  }
0x19: {  	[sflag:s10] =	ssyncset.done $0x0  }
0x1a: {  	s20 =	simm.s32 $0x0;
	[sflag:s10] =	ssyncadd.s32 $0xFFFFFEC0  }
0x1b: {  	[tilespmem:s11], [sflag:$0x1] =	stream.linear.gather [hbm4b:s6+s3], $0x6C00, $0x38;
	[tilespmem:$0x1D940] =	vst v63  }
.LBB2_9:
0x1c: {  	s20 =	sadd.s32 $0x1, s20  }
0x1d: {  	p0 =	sne.s32 s20, $0x19  }
.Ltmp3:
0x1e: {  	_ = 	snop;
	(pc) =	sbr.rel @!p0 .LBB2_10-.Ltmp3, $1  }
0x1f: {  	_ =	sdelay $0x3  }
.LBB2_2:
0x20: {  	s21 =	sand.u32 $0x1, s20  }
0x21: {  	p0 =	seq.s32 s21, $0x1  }
.Ltmp4:
0x22: {  	_ = 	snop;
	(pc) =	sbr.rel @p0 .LBB2_6-.Ltmp4, $1  }
0x23: {  	_ =	sdelay $0x3  }
0x24: {  	p0 =	seq.s32 s20, $0x18  }
0x25: {  	s22 =	sshll.u32 @!p0 s20, $0xA  }
0x26: {  	s22 =	sadd.s32 @!p0 s22, s7  }
0x27: {  	_ =	swait.ge [sflag:s17], $0x6C00;
	s22 =	smul.u32 @!p0 $0x1B, s22  }
0x28: {  	s29 =	simm.s32 $0xB;
	[sflag:s17] =	ssyncset.done $0x0  }
0x29: {  	s23 =	simm.s32 @!p0 $0x0;
	s24 =	simm.s32 @!p0 $0x6D40;
	s22 =	sshrl.u32 @!p0 s22, $0x3  }
0x2a: {  	p1 =	slt.u32 @!p0 s20, $0x2;
	[sflag:s17] =	ssyncadd.s32 $0xFFFF9400;
	s22 =	sadd.s32 @!p0 s4, s22  }
0x2b: {  	v34 =	vadd.s32 s29, v1;
	[tilespmem:s24], [sflag:$0x2] =	stream.linear.gather @!p0 [hbm4b:s22+s23], $0x6C00, $0x38;
	[tilespmem:$0x1D940] =	vst v63  }
0x2c: {  	s30 =	simm.s32 $0xA;
	p0 =	por p0, !p1  }
0x2d: {  	v35 =	vadd.s32 s30, v1;
	_ =	swait.ge @p0 [sflag:s16], $0x8000  }
0x2e: {  	[sflag:s16] =	ssyncset.done @p0 $0x0  }
0x2f: {  	[sflag:s16] =	ssyncadd.s32 @p0 $0xFFFF8000  }
0x30: {  	v34 =	vld.idx.msk [tilespmem:v34+s11+$0x0], $0xffff;
	_ =	sdelay $0x1  }
0x31: {  	v35 =	vld.idx.msk [tilespmem:v35+s11+$0x0], $0xffff;
	_ =	sdelay $0x2  }
0x32: {  	v36 =	vmul.f32 $1.250000000e-01, v34;
	v37 =	vmul.f32 $7.500000000e-01, v34  }
0x33: {  	v38 =	vmul.f32 $2.500000000e-01, v34;
	v39 =	vmul.f32 $3.750000000e-01, v34  }
0x34: {  	vm0 =	vlt.f32 v34, v35;
	v40 =	vmul.f32 $0.0e+00, v34;
	v61 =	vmul.f32 $5.000000000e-01, v34  }
0x35: {  	v44 =	vmul.f32 $6.250000000e-01, v34;
	v34 =	vmul.f32 $8.750000000e-01, v34;
	vm1 =	vlt.f32 v36, v35  }
0x36: {  	v62 =	vsel vm0, $0x1, v2;
	vm11 =	vlt.f32 v40, v35;
	v41 =	vsel vm1, $0x1, v2  }
0x37: {  	vm10 =	vlt.f32 v38, v35;
	v63 =	vsel vm11, $0x1, v2;
	v38 =	vadd.s32 v62, v41  }
0x38: {  	vm2 =	vlt.f32 v39, v35;
	v45 =	vsel vm10, $0x1, v2;
	v38 =	vadd.s32 v63, v38  }
0x39: {  	vm12 =	vlt.f32 v61, v35;
	v46 =	vsel vm2, $0x1, v2;
	v36 =	vadd.s32 v45, v38  }
0x3a: {  	vm13 =	vlt.f32 v44, v35;
	v47 =	vsel vm12, $0x1, v2;
	v36 =	vadd.s32 v46, v36  }
0x3b: {  	vm14 =	vlt.f32 v37, v35;
	v48 =	vsel vm13, $0x1, v2;
	v36 =	vadd.s32 v47, v36  }
0x3c: {  	vm15 =	vlt.f32 v34, v35;
	v49 =	vsel vm14, $0x1, v2;
	v50 =	vadd.s32 v48, v36  }
0x3d: {  	v35 =	vsel vm15, $0x1, v2;
	v34 =	vadd.s32 v49, v50  }
0x3e: {  	v34 =	vadd.s32 v35, v34;
	_ =	sdelay $0x3  }
0x3f: {  	s22 =	simm.s32 $0x0  }
0x40: {  	v51 =	vor.u32 s22, v0;
	v35 =	vld.idx.msk [tilespmem:v34+s3+$0x0], $0xffff  }
0x41: {  	v52 =	vadd.s32 $0xA, v34;
	_ =	sdelay $0x3  }
0x42: {  	[tilespmem:v51+s18+$0x0] =	vst.idx.msk $0xffff, v35  }
0x43: {  	v53 =	vor.u32 s22, v3;
	v35 =	vld.idx.msk [tilespmem:v52+s3+$0x0], $0xffff  }
0x44: {  	v54 =	vadd.s32 $0x14, v34;
	_ =	sdelay $0x3  }
0x45: {  	[tilespmem:v53+s18+$0x0] =	vst.idx.msk $0xffff, v35  }
0x46: {  	v55 =	vor.u32 s22, v4;
	v35 =	vld.idx.msk [tilespmem:v54+s3+$0x0], $0xffff  }
0x47: {  	v56 =	vadd.s32 $0x1E, v34;
	_ =	sdelay $0x3  }
0x48: {  	[tilespmem:v55+s18+$0x0] =	vst.idx.msk $0xffff, v35  }
0x49: {  	v57 =	vor.u32 s22, v5;
	v35 =	vld.idx.msk [tilespmem:v56+s3+$0x0], $0xffff  }
0x4a: {  	v58 =	vadd.s32 $0x28, v34;
	_ =	sdelay $0x3  }
0x4b: {  	[tilespmem:v57+s18+$0x0] =	vst.idx.msk $0xffff, v35  }
0x4c: {  	v59 =	vor.u32 s22, v6;
	v35 =	vld.idx.msk [tilespmem:v58+s3+$0x0], $0xffff  }
0x4d: {  	v60 =	vadd.s32 $0x32, v34;
	_ =	sdelay $0x3  }
0x4e: {  	[tilespmem:v59+s18+$0x0] =	vst.idx.msk $0xffff, v35  }
0x4f: {  	v61 =	vor.u32 s22, v7;
	v35 =	vld.idx.msk [tilespmem:v60+s3+$0x0], $0xffff  }
0x50: {  	v62 =	vadd.s32 $0x3C, v34;
	_ =	sdelay $0x3  }
0x51: {  	[tilespmem:v61+s18+$0x0] =	vst.idx.msk $0xffff, v35  }
0x52: {  	v63 =	vor.u32 s22, v8;
	v35 =	vld.idx.msk [tilespmem:v62+s3+$0x0], $0xffff  }
0x53: {  	v40 =	vadd.s32 $0x46, v34;
	_ =	sdelay $0x3  }
0x54: {  	[tilespmem:v63+s18+$0x0] =	vst.idx.msk $0xffff, v35  }
0x55: {  	v41 =	vor.u32 s22, v9;
	v35 =	vld.idx.msk [tilespmem:v40+s3+$0x0], $0xffff  }
0x56: {  	v42 =	vadd.s32 $0x50, v34;
	_ =	sdelay $0x3  }
0x57: {  	[tilespmem:v41+s18+$0x0] =	vst.idx.msk $0xffff, v35  }
0x58: {  	v43 =	vor.u32 s22, v10;
	v35 =	vld.idx.msk [tilespmem:v42+s3+$0x0], $0xffff  }
0x59: {  	v44 =	vadd.s32 $0x5A, v34;
	_ =	sdelay $0x3  }
0x5a: {  	[tilespmem:v43+s18+$0x0] =	vst.idx.msk $0xffff, v35  }
0x5b: {  	v45 =	vor.u32 s22, v11;
	v35 =	vld.idx.msk [tilespmem:v44+s3+$0x0], $0xffff  }
0x5c: {  	v46 =	vadd.s32 $0x64, v34;
	_ =	sdelay $0x3  }
0x5d: {  	[tilespmem:v45+s18+$0x0] =	vst.idx.msk $0xffff, v35  }
0x5e: {  	v47 =	vor.u32 s22, v12;
	v35 =	vld.idx.msk [tilespmem:v46+s3+$0x0], $0xffff  }
0x5f: {  	v48 =	vadd.s32 $0x6E, v34;
	_ =	sdelay $0x3  }
0x60: {  	[tilespmem:v47+s18+$0x0] =	vst.idx.msk $0xffff, v35  }
0x61: {  	v49 =	vor.u32 s22, v13;
	v35 =	vld.idx.msk [tilespmem:v48+s3+$0x0], $0xffff  }
0x62: {  	v50 =	vadd.s32 $0x78, v34;
	_ =	sdelay $0x3  }
0x63: {  	[tilespmem:v49+s18+$0x0] =	vst.idx.msk $0xffff, v35  }
0x64: {  	v51 =	vor.u32 s22, v14;
	v35 =	vld.idx.msk [tilespmem:v50+s3+$0x0], $0xffff  }
0x65: {  	v52 =	vadd.s32 $0x82, v34;
	_ =	sdelay $0x3  }
0x66: {  	[tilespmem:v51+s18+$0x0] =	vst.idx.msk $0xffff, v35  }
0x67: {  	v53 =	vor.u32 s22, v15;
	v35 =	vld.idx.msk [tilespmem:v52+s3+$0x0], $0xffff  }
0x68: {  	v54 =	vadd.s32 $0x8C, v34;
	_ =	sdelay $0x3  }
0x69: {  	[tilespmem:v53+s18+$0x0] =	vst.idx.msk $0xffff, v35  }
0x6a: {  	v55 =	vor.u32 s22, v16;
	v35 =	vld.idx.msk [tilespmem:v54+s3+$0x0], $0xffff  }
0x6b: {  	v56 =	vadd.s32 $0x96, v34;
	_ =	sdelay $0x3  }
0x6c: {  	[tilespmem:v55+s18+$0x0] =	vst.idx.msk $0xffff, v35  }
0x6d: {  	v57 =	vor.u32 s22, v17;
	v35 =	vld.idx.msk [tilespmem:v56+s3+$0x0], $0xffff  }
0x6e: {  	v58 =	vadd.s32 $0xA0, v34;
	_ =	sdelay $0x3  }
0x6f: {  	[tilespmem:v57+s18+$0x0] =	vst.idx.msk $0xffff, v35  }
0x70: {  	v59 =	vor.u32 s22, v18;
	v35 =	vld.idx.msk [tilespmem:v58+s3+$0x0], $0xffff  }
0x71: {  	v60 =	vadd.s32 $0xAA, v34;
	_ =	sdelay $0x3  }
0x72: {  	[tilespmem:v59+s18+$0x0] =	vst.idx.msk $0xffff, v35  }
0x73: {  	v61 =	vor.u32 s22, v19;
	v35 =	vld.idx.msk [tilespmem:v60+s3+$0x0], $0xffff  }
0x74: {  	v62 =	vadd.s32 $0xB4, v34;
	_ =	sdelay $0x3  }
0x75: {  	[tilespmem:v61+s18+$0x0] =	vst.idx.msk $0xffff, v35  }
0x76: {  	v63 =	vor.u32 s22, v20;
	v35 =	vld.idx.msk [tilespmem:v62+s3+$0x0], $0xffff  }
0x77: {  	v40 =	vadd.s32 $0xBE, v34;
	_ =	sdelay $0x3  }
0x78: {  	[tilespmem:v63+s18+$0x0] =	vst.idx.msk $0xffff, v35  }
0x79: {  	v41 =	vor.u32 s22, v21;
	v35 =	vld.idx.msk [tilespmem:v40+s3+$0x0], $0xffff  }
0x7a: {  	v42 =	vadd.s32 $0xC8, v34;
	_ =	sdelay $0x3  }
0x7b: {  	[tilespmem:v41+s18+$0x0] =	vst.idx.msk $0xffff, v35  }
0x7c: {  	v43 =	vor.u32 s22, v22;
	v35 =	vld.idx.msk [tilespmem:v42+s3+$0x0], $0xffff  }
0x7d: {  	v44 =	vadd.s32 $0xD2, v34;
	_ =	sdelay $0x3  }
0x7e: {  	[tilespmem:v43+s18+$0x0] =	vst.idx.msk $0xffff, v35  }
0x7f: {  	v45 =	vor.u32 s22, v23;
	v35 =	vld.idx.msk [tilespmem:v44+s3+$0x0], $0xffff  }
0x80: {  	v46 =	vadd.s32 $0xDC, v34;
	_ =	sdelay $0x3  }
0x81: {  	[tilespmem:v45+s18+$0x0] =	vst.idx.msk $0xffff, v35  }
0x82: {  	v47 =	vor.u32 s22, v24;
	v35 =	vld.idx.msk [tilespmem:v46+s3+$0x0], $0xffff  }
0x83: {  	v48 =	vadd.s32 $0xE6, v34;
	_ =	sdelay $0x3  }
0x84: {  	[tilespmem:v47+s18+$0x0] =	vst.idx.msk $0xffff, v35  }
0x85: {  	v49 =	vor.u32 s22, v25;
	v35 =	vld.idx.msk [tilespmem:v48+s3+$0x0], $0xffff  }
0x86: {  	v50 =	vadd.s32 $0xF0, v34;
	_ =	sdelay $0x3  }
0x87: {  	[tilespmem:v49+s18+$0x0] =	vst.idx.msk $0xffff, v35  }
0x88: {  	v51 =	vor.u32 s22, v26;
	v35 =	vld.idx.msk [tilespmem:v50+s3+$0x0], $0xffff  }
0x89: {  	v52 =	vadd.s32 $0xFA, v34;
	_ =	sdelay $0x3  }
0x8a: {  	[tilespmem:v51+s18+$0x0] =	vst.idx.msk $0xffff, v35  }
0x8b: {  	v53 =	vor.u32 s22, v27;
	v35 =	vld.idx.msk [tilespmem:v52+s3+$0x0], $0xffff  }
0x8c: {  	v54 =	vadd.s32 $0x104, v34;
	_ =	sdelay $0x3  }
0x8d: {  	[tilespmem:v53+s18+$0x0] =	vst.idx.msk $0xffff, v35  }
0x8e: {  	v55 =	vor.u32 s22, v28;
	v35 =	vld.idx.msk [tilespmem:v54+s3+$0x0], $0xffff  }
0x8f: {  	v56 =	vadd.s32 $0x10E, v34;
	_ =	sdelay $0x3  }
0x90: {  	[tilespmem:v55+s18+$0x0] =	vst.idx.msk $0xffff, v35  }
0x91: {  	v57 =	vor.u32 s22, v29;
	v35 =	vld.idx.msk [tilespmem:v56+s3+$0x0], $0xffff  }
0x92: {  	v58 =	vadd.s32 $0x118, v34;
	_ =	sdelay $0x3  }
0x93: {  	[tilespmem:v57+s18+$0x0] =	vst.idx.msk $0xffff, v35  }
0x94: {  	v59 =	vor.u32 s22, v30;
	v35 =	vld.idx.msk [tilespmem:v58+s3+$0x0], $0xffff  }
0x95: {  	v60 =	vadd.s32 $0x122, v34;
	_ =	sdelay $0x3  }
0x96: {  	[tilespmem:v59+s18+$0x0] =	vst.idx.msk $0xffff, v35  }
0x97: {  	v61 =	vor.u32 s22, v31;
	v35 =	vld.idx.msk [tilespmem:v60+s3+$0x0], $0xffff  }
0x98: {  	v62 =	vadd.s32 $0x12C, v34;
	_ =	sdelay $0x3  }
0x99: {  	[tilespmem:v61+s18+$0x0] =	vst.idx.msk $0xffff, v35  }
0x9a: {  	v63 =	vor.u32 s22, v32;
	v35 =	vld.idx.msk [tilespmem:v62+s3+$0x0], $0xffff  }
0x9b: {  	v34 =	vadd.s32 $0x136, v34;
	_ =	sdelay $0x3  }
0x9c: {  	[tilespmem:v63+s18+$0x0] =	vst.idx.msk $0xffff, v35  }
0x9d: {  	s31 =	simm.s32 $0x1BB;
	v35 =	vor.u32 s22, v33;
	v34 =	vld.idx.msk [tilespmem:v34+s3+$0x0], $0xffff  }
0x9e: {  	s25 =	simm.s32 $0x1BA;
	v36 =	vadd.s32 s31, v1  }
0x9f: {  	s23 =	simm.s32 $0x36B;
	v37 =	vadd.s32 s25, v1  }
.LBB2_4:
0xa0: {  	p0 =	sne.s32 s23, $0x6A5B  }
0xa1: {  	s22 =	sadd.s32 $0x200, s22;
	s24 =	smov.u32 s23;
	s23 =	sadd.s32 $0x1B0, s23  }
0xa2: {  	[tilespmem:v35+s18+$0x0] =	vst.idx.msk $0xffff, v34  }
0xa3: {  	v34 =	vld.idx.msk [tilespmem:v36+s11+$0x0], $0xffff  }
0xa4: {  	v35 =	vld.idx.msk [tilespmem:v37+s11+$0x0], $0xffff;
	_ =	sdelay $0x4  }
0xa5: {  	v36 =	vmul.f32 $1.250000000e-01, v34;
	v37 =	vmul.f32 $7.500000000e-01, v34  }
0xa6: {  	v38 =	vmul.f32 $2.500000000e-01, v34;
	v39 =	vmul.f32 $3.750000000e-01, v34;
	vm0 =	vlt.f32 v34, v35  }
0xa7: {  	v40 =	vmul.f32 $0.0e+00, v34;
	vm1 =	vlt.f32 v36, v35;
	v36 =	vmul.f32 $5.000000000e-01, v34  }
0xa8: {  	v41 =	vsel vm1, $0x1, v2;
	vm1 =	vlt.f32 v38, v35;
	v38 =	vsel vm0, $0x1, v2  }
0xa9: {  	vm2 =	vlt.f32 v39, v35;
	vm0 =	vlt.f32 v40, v35;
	v38 =	vadd.s32 v38, v41  }
0xaa: {  	v39 =	vsel vm0, $0x1, v2;
	vm0 =	vlt.f32 v36, v35;
	v36 =	vmul.f32 $6.250000000e-01, v34  }
0xab: {  	v40 =	vsel vm1, $0x1, v2;
	vm1 =	vlt.f32 v37, v35;
	v37 =	vadd.s32 v39, v38  }
0xac: {  	v38 =	vsel vm2, $0x1, v2;
	vm2 =	vlt.f32 v36, v35;
	v36 =	vadd.s32 v40, v37  }
0xad: {  	v34 =	vmul.f32 $8.750000000e-01, v34;
	v37 =	vsel vm0, $0x1, v2;
	v36 =	vadd.s32 v38, v36  }
0xae: {  	v38 =	vsel vm2, $0x1, v2;
	v36 =	vadd.s32 v37, v36  }
0xaf: {  	vm0 =	vlt.f32 v34, v35;
	v37 =	vsel vm1, $0x1, v2;
	v34 =	vadd.s32 v38, v36  }
0xb0: {  	v35 =	vsel vm0, $0x1, v2;
	v34 =	vadd.s32 v37, v34  }
0xb1: {  	v34 =	vadd.s32 v35, v34;
	_ =	sdelay $0x4  }
0xb2: {  	v35 =	vld.idx.msk [tilespmem:v34+s3+$0x0], $0xffff  }
0xb3: {  	v36 =	vor.u32 s22, v0  }
0xb4: {  	v37 =	vadd.s32 $0xA, v34;
	_ =	sdelay $0x3  }
0xb5: {  	[tilespmem:v36+s18+$0x0] =	vst.idx.msk $0xffff, v35  }
0xb6: {  	v35 =	vld.idx.msk [tilespmem:v37+s3+$0x0], $0xffff  }
0xb7: {  	v36 =	vor.u32 s22, v3  }
0xb8: {  	v37 =	vadd.s32 $0x14, v34;
	_ =	sdelay $0x3  }
0xb9: {  	[tilespmem:v36+s18+$0x0] =	vst.idx.msk $0xffff, v35  }
0xba: {  	v35 =	vld.idx.msk [tilespmem:v37+s3+$0x0], $0xffff  }
0xbb: {  	v36 =	vor.u32 s22, v4  }
0xbc: {  	v37 =	vadd.s32 $0x1E, v34;
	_ =	sdelay $0x3  }
0xbd: {  	[tilespmem:v36+s18+$0x0] =	vst.idx.msk $0xffff, v35  }
0xbe: {  	v35 =	vld.idx.msk [tilespmem:v37+s3+$0x0], $0xffff  }
0xbf: {  	v36 =	vor.u32 s22, v5  }
0xc0: {  	v37 =	vadd.s32 $0x28, v34;
	_ =	sdelay $0x3  }
0xc1: {  	[tilespmem:v36+s18+$0x0] =	vst.idx.msk $0xffff, v35  }
0xc2: {  	v35 =	vld.idx.msk [tilespmem:v37+s3+$0x0], $0xffff  }
0xc3: {  	v36 =	vor.u32 s22, v6  }
0xc4: {  	v37 =	vadd.s32 $0x32, v34;
	_ =	sdelay $0x3  }
0xc5: {  	[tilespmem:v36+s18+$0x0] =	vst.idx.msk $0xffff, v35  }
0xc6: {  	v35 =	vld.idx.msk [tilespmem:v37+s3+$0x0], $0xffff  }
0xc7: {  	v36 =	vor.u32 s22, v7  }
0xc8: {  	v37 =	vadd.s32 $0x3C, v34;
	_ =	sdelay $0x3  }
0xc9: {  	[tilespmem:v36+s18+$0x0] =	vst.idx.msk $0xffff, v35  }
0xca: {  	v35 =	vld.idx.msk [tilespmem:v37+s3+$0x0], $0xffff  }
0xcb: {  	v36 =	vor.u32 s22, v8  }
0xcc: {  	v37 =	vadd.s32 $0x46, v34;
	_ =	sdelay $0x3  }
0xcd: {  	[tilespmem:v36+s18+$0x0] =	vst.idx.msk $0xffff, v35  }
0xce: {  	v35 =	vld.idx.msk [tilespmem:v37+s3+$0x0], $0xffff  }
0xcf: {  	v36 =	vor.u32 s22, v9  }
0xd0: {  	v37 =	vadd.s32 $0x50, v34;
	_ =	sdelay $0x3  }
0xd1: {  	[tilespmem:v36+s18+$0x0] =	vst.idx.msk $0xffff, v35  }
0xd2: {  	v35 =	vld.idx.msk [tilespmem:v37+s3+$0x0], $0xffff  }
0xd3: {  	v36 =	vor.u32 s22, v10  }
0xd4: {  	v37 =	vadd.s32 $0x5A, v34;
	_ =	sdelay $0x3  }
0xd5: {  	[tilespmem:v36+s18+$0x0] =	vst.idx.msk $0xffff, v35  }
0xd6: {  	v35 =	vld.idx.msk [tilespmem:v37+s3+$0x0], $0xffff  }
0xd7: {  	v36 =	vor.u32 s22, v11  }
0xd8: {  	v37 =	vadd.s32 $0x64, v34;
	_ =	sdelay $0x3  }
0xd9: {  	[tilespmem:v36+s18+$0x0] =	vst.idx.msk $0xffff, v35  }
0xda: {  	v35 =	vld.idx.msk [tilespmem:v37+s3+$0x0], $0xffff  }
0xdb: {  	v36 =	vor.u32 s22, v12  }
0xdc: {  	v37 =	vadd.s32 $0x6E, v34;
	_ =	sdelay $0x3  }
0xdd: {  	[tilespmem:v36+s18+$0x0] =	vst.idx.msk $0xffff, v35  }
0xde: {  	v35 =	vld.idx.msk [tilespmem:v37+s3+$0x0], $0xffff  }
0xdf: {  	v36 =	vor.u32 s22, v13  }
0xe0: {  	v37 =	vadd.s32 $0x78, v34;
	_ =	sdelay $0x3  }
0xe1: {  	[tilespmem:v36+s18+$0x0] =	vst.idx.msk $0xffff, v35  }
0xe2: {  	v35 =	vld.idx.msk [tilespmem:v37+s3+$0x0], $0xffff  }
0xe3: {  	v36 =	vor.u32 s22, v14  }
0xe4: {  	v37 =	vadd.s32 $0x82, v34;
	_ =	sdelay $0x3  }
0xe5: {  	[tilespmem:v36+s18+$0x0] =	vst.idx.msk $0xffff, v35  }
0xe6: {  	v35 =	vld.idx.msk [tilespmem:v37+s3+$0x0], $0xffff  }
0xe7: {  	v36 =	vor.u32 s22, v15  }
0xe8: {  	v37 =	vadd.s32 $0x8C, v34;
	_ =	sdelay $0x3  }
0xe9: {  	[tilespmem:v36+s18+$0x0] =	vst.idx.msk $0xffff, v35  }
0xea: {  	v35 =	vld.idx.msk [tilespmem:v37+s3+$0x0], $0xffff  }
0xeb: {  	v36 =	vor.u32 s22, v16  }
0xec: {  	v37 =	vadd.s32 $0x96, v34;
	_ =	sdelay $0x3  }
0xed: {  	[tilespmem:v36+s18+$0x0] =	vst.idx.msk $0xffff, v35  }
0xee: {  	v35 =	vld.idx.msk [tilespmem:v37+s3+$0x0], $0xffff  }
0xef: {  	v36 =	vor.u32 s22, v17  }
0xf0: {  	v37 =	vadd.s32 $0xA0, v34;
	_ =	sdelay $0x3  }
0xf1: {  	[tilespmem:v36+s18+$0x0] =	vst.idx.msk $0xffff, v35  }
0xf2: {  	v35 =	vld.idx.msk [tilespmem:v37+s3+$0x0], $0xffff  }
0xf3: {  	v36 =	vor.u32 s22, v18  }
0xf4: {  	v37 =	vadd.s32 $0xAA, v34;
	_ =	sdelay $0x3  }
0xf5: {  	[tilespmem:v36+s18+$0x0] =	vst.idx.msk $0xffff, v35  }
0xf6: {  	v35 =	vld.idx.msk [tilespmem:v37+s3+$0x0], $0xffff  }
0xf7: {  	v36 =	vor.u32 s22, v19  }
0xf8: {  	v37 =	vadd.s32 $0xB4, v34;
	_ =	sdelay $0x3  }
0xf9: {  	[tilespmem:v36+s18+$0x0] =	vst.idx.msk $0xffff, v35  }
0xfa: {  	v35 =	vld.idx.msk [tilespmem:v37+s3+$0x0], $0xffff  }
0xfb: {  	v36 =	vor.u32 s22, v20  }
0xfc: {  	v37 =	vadd.s32 $0xBE, v34;
	_ =	sdelay $0x3  }
0xfd: {  	[tilespmem:v36+s18+$0x0] =	vst.idx.msk $0xffff, v35  }
0xfe: {  	v35 =	vld.idx.msk [tilespmem:v37+s3+$0x0], $0xffff  }
0xff: {  	v36 =	vor.u32 s22, v21  }
0x100: {  	v37 =	vadd.s32 $0xC8, v34;
	_ =	sdelay $0x3  }
0x101: {  	[tilespmem:v36+s18+$0x0] =	vst.idx.msk $0xffff, v35  }
0x102: {  	v35 =	vld.idx.msk [tilespmem:v37+s3+$0x0], $0xffff  }
0x103: {  	v36 =	vor.u32 s22, v22  }
0x104: {  	v37 =	vadd.s32 $0xD2, v34;
	_ =	sdelay $0x3  }
0x105: {  	[tilespmem:v36+s18+$0x0] =	vst.idx.msk $0xffff, v35  }
0x106: {  	v35 =	vld.idx.msk [tilespmem:v37+s3+$0x0], $0xffff  }
0x107: {  	v36 =	vor.u32 s22, v23  }
0x108: {  	v37 =	vadd.s32 $0xDC, v34;
	_ =	sdelay $0x3  }
0x109: {  	[tilespmem:v36+s18+$0x0] =	vst.idx.msk $0xffff, v35  }
0x10a: {  	v35 =	vld.idx.msk [tilespmem:v37+s3+$0x0], $0xffff  }
0x10b: {  	v36 =	vor.u32 s22, v24  }
0x10c: {  	v37 =	vadd.s32 $0xE6, v34;
	_ =	sdelay $0x3  }
0x10d: {  	[tilespmem:v36+s18+$0x0] =	vst.idx.msk $0xffff, v35  }
0x10e: {  	v35 =	vld.idx.msk [tilespmem:v37+s3+$0x0], $0xffff  }
0x10f: {  	v36 =	vor.u32 s22, v25  }
0x110: {  	v37 =	vadd.s32 $0xF0, v34;
	_ =	sdelay $0x3  }
0x111: {  	[tilespmem:v36+s18+$0x0] =	vst.idx.msk $0xffff, v35  }
0x112: {  	v35 =	vld.idx.msk [tilespmem:v37+s3+$0x0], $0xffff  }
0x113: {  	v36 =	vor.u32 s22, v26  }
0x114: {  	v37 =	vadd.s32 $0xFA, v34;
	_ =	sdelay $0x3  }
0x115: {  	[tilespmem:v36+s18+$0x0] =	vst.idx.msk $0xffff, v35  }
0x116: {  	v35 =	vld.idx.msk [tilespmem:v37+s3+$0x0], $0xffff  }
0x117: {  	v36 =	vor.u32 s22, v27  }
0x118: {  	v37 =	vadd.s32 $0x104, v34;
	_ =	sdelay $0x3  }
0x119: {  	[tilespmem:v36+s18+$0x0] =	vst.idx.msk $0xffff, v35  }
0x11a: {  	v35 =	vld.idx.msk [tilespmem:v37+s3+$0x0], $0xffff  }
0x11b: {  	v36 =	vor.u32 s22, v28  }
0x11c: {  	v37 =	vadd.s32 $0x10E, v34;
	_ =	sdelay $0x3  }
0x11d: {  	[tilespmem:v36+s18+$0x0] =	vst.idx.msk $0xffff, v35  }
0x11e: {  	v35 =	vld.idx.msk [tilespmem:v37+s3+$0x0], $0xffff  }
0x11f: {  	v36 =	vor.u32 s22, v29  }
0x120: {  	v37 =	vadd.s32 $0x118, v34;
	_ =	sdelay $0x3  }
0x121: {  	[tilespmem:v36+s18+$0x0] =	vst.idx.msk $0xffff, v35  }
0x122: {  	v35 =	vld.idx.msk [tilespmem:v37+s3+$0x0], $0xffff  }
0x123: {  	v36 =	vor.u32 s22, v30  }
0x124: {  	v37 =	vadd.s32 $0x122, v34;
	_ =	sdelay $0x3  }
0x125: {  	[tilespmem:v36+s18+$0x0] =	vst.idx.msk $0xffff, v35  }
0x126: {  	v35 =	vld.idx.msk [tilespmem:v37+s3+$0x0], $0xffff  }
0x127: {  	v36 =	vor.u32 s22, v31  }
0x128: {  	v37 =	vadd.s32 $0x12C, v34;
	_ =	sdelay $0x3  }
0x129: {  	[tilespmem:v36+s18+$0x0] =	vst.idx.msk $0xffff, v35  }
0x12a: {  	v35 =	vld.idx.msk [tilespmem:v37+s3+$0x0], $0xffff  }
0x12b: {  	v36 =	vor.u32 s22, v32  }
0x12c: {  	v34 =	vadd.s32 $0x136, v34;
	_ =	sdelay $0x3  }
.Ltmp5:
0x12d: {  	[tilespmem:v36+s18+$0x0] =	vst.idx.msk $0xffff, v35;
	(pc) =	sbr.rel @p0 .LBB2_4-.Ltmp5, $4  }
0x12e: {  	v34 =	vld.idx.msk [tilespmem:v34+s3+$0x0], $0xffff  }
0x12f: {  	v35 =	vor.u32 s22, v33  }
0x130: {  	s25 =	sadd.s32 $0xFFFFFFFF, s24;
	v36 =	vadd.s32 s24, v1  }
0x131: {  	v37 =	vadd.s32 s25, v1  }
0x132: {  	_ =	sdelay $0x3  }
0x133: {  	[tilespmem:v35+s18+$0x0] =	vst.idx.msk $0xffff, v34  }
0x134: {  	v34 =	vld.idx.msk [tilespmem:v36+s11+$0x0], $0xffff;
	_ =	sdelay $0x1  }
0x135: {  	v35 =	vld.idx.msk [tilespmem:v37+s11+$0x0], $0xffff;
	_ =	sdelay $0x2  }
0x136: {  	v36 =	vmul.f32 $1.250000000e-01, v34;
	v59 =	vmul.f32 $7.500000000e-01, v34  }
0x137: {  	v38 =	vmul.f32 $2.500000000e-01, v34;
	v39 =	vmul.f32 $3.750000000e-01, v34  }
0x138: {  	vm0 =	vlt.f32 v34, v35;
	v40 =	vmul.f32 $0.0e+00, v34;
	v60 =	vmul.f32 $5.000000000e-01, v34  }
0x139: {  	v63 =	vmul.f32 $6.250000000e-01, v34;
	v34 =	vmul.f32 $8.750000000e-01, v34;
	vm1 =	vlt.f32 v36, v35  }
0x13a: {  	v61 =	vsel vm0, $0x1, v2;
	vm11 =	vlt.f32 v40, v35;
	v41 =	vsel vm1, $0x1, v2  }
0x13b: {  	vm10 =	vlt.f32 v38, v35;
	v62 =	vsel vm11, $0x1, v2;
	v38 =	vadd.s32 v61, v41  }
0x13c: {  	vm2 =	vlt.f32 v39, v35;
	v44 =	vsel vm10, $0x1, v2;
	v38 =	vadd.s32 v62, v38  }
0x13d: {  	vm12 =	vlt.f32 v60, v35;
	v45 =	vsel vm2, $0x1, v2;
	v36 =	vadd.s32 v44, v38  }
0x13e: {  	vm13 =	vlt.f32 v63, v35;
	v46 =	vsel vm12, $0x1, v2;
	v36 =	vadd.s32 v45, v36  }
0x13f: {  	vm14 =	vlt.f32 v59, v35;
	v47 =	vsel vm13, $0x1, v2;
	v36 =	vadd.s32 v46, v36  }
0x140: {  	vm15 =	vlt.f32 v34, v35;
	v48 =	vsel vm14, $0x1, v2;
	v49 =	vadd.s32 v47, v36  }
0x141: {  	v35 =	vsel vm15, $0x1, v2;
	v34 =	vadd.s32 v48, v49  }
0x142: {  	v34 =	vadd.s32 v35, v34;
	_ =	sdelay $0x3  }
0x143: {  	s22 =	sadd.s32 $0x200, s22  }
0x144: {  	v50 =	vor.u32 s22, v0;
	v35 =	vld.idx.msk [tilespmem:v34+s3+$0x0], $0xffff  }
0x145: {  	v51 =	vadd.s32 $0xA, v34;
	_ =	sdelay $0x3  }
0x146: {  	[tilespmem:v50+s18+$0x0] =	vst.idx.msk $0xffff, v35  }
0x147: {  	v52 =	vor.u32 s22, v3;
	v35 =	vld.idx.msk [tilespmem:v51+s3+$0x0], $0xffff  }
0x148: {  	v53 =	vadd.s32 $0x14, v34;
	_ =	sdelay $0x3  }
0x149: {  	[tilespmem:v52+s18+$0x0] =	vst.idx.msk $0xffff, v35  }
0x14a: {  	v54 =	vor.u32 s22, v4;
	v35 =	vld.idx.msk [tilespmem:v53+s3+$0x0], $0xffff  }
0x14b: {  	v55 =	vadd.s32 $0x1E, v34;
	_ =	sdelay $0x3  }
0x14c: {  	[tilespmem:v54+s18+$0x0] =	vst.idx.msk $0xffff, v35  }
0x14d: {  	v56 =	vor.u32 s22, v5;
	v35 =	vld.idx.msk [tilespmem:v55+s3+$0x0], $0xffff  }
0x14e: {  	v57 =	vadd.s32 $0x28, v34;
	_ =	sdelay $0x3  }
0x14f: {  	[tilespmem:v56+s18+$0x0] =	vst.idx.msk $0xffff, v35  }
0x150: {  	v58 =	vor.u32 s22, v6;
	v35 =	vld.idx.msk [tilespmem:v57+s3+$0x0], $0xffff  }
0x151: {  	v59 =	vadd.s32 $0x32, v34;
	_ =	sdelay $0x3  }
0x152: {  	[tilespmem:v58+s18+$0x0] =	vst.idx.msk $0xffff, v35  }
0x153: {  	v60 =	vor.u32 s22, v7;
	v35 =	vld.idx.msk [tilespmem:v59+s3+$0x0], $0xffff  }
0x154: {  	v61 =	vadd.s32 $0x3C, v34;
	_ =	sdelay $0x3  }
0x155: {  	[tilespmem:v60+s18+$0x0] =	vst.idx.msk $0xffff, v35  }
0x156: {  	v62 =	vor.u32 s22, v8;
	v35 =	vld.idx.msk [tilespmem:v61+s3+$0x0], $0xffff  }
0x157: {  	v63 =	vadd.s32 $0x46, v34;
	_ =	sdelay $0x3  }
0x158: {  	[tilespmem:v62+s18+$0x0] =	vst.idx.msk $0xffff, v35  }
0x159: {  	v40 =	vor.u32 s22, v9;
	v35 =	vld.idx.msk [tilespmem:v63+s3+$0x0], $0xffff  }
0x15a: {  	v41 =	vadd.s32 $0x50, v34;
	_ =	sdelay $0x3  }
0x15b: {  	[tilespmem:v40+s18+$0x0] =	vst.idx.msk $0xffff, v35  }
0x15c: {  	v42 =	vor.u32 s22, v10;
	v35 =	vld.idx.msk [tilespmem:v41+s3+$0x0], $0xffff  }
0x15d: {  	v43 =	vadd.s32 $0x5A, v34;
	_ =	sdelay $0x3  }
0x15e: {  	[tilespmem:v42+s18+$0x0] =	vst.idx.msk $0xffff, v35  }
0x15f: {  	v44 =	vor.u32 s22, v11;
	v35 =	vld.idx.msk [tilespmem:v43+s3+$0x0], $0xffff  }
0x160: {  	v45 =	vadd.s32 $0x64, v34;
	_ =	sdelay $0x3  }
0x161: {  	[tilespmem:v44+s18+$0x0] =	vst.idx.msk $0xffff, v35  }
0x162: {  	v46 =	vor.u32 s22, v12;
	v35 =	vld.idx.msk [tilespmem:v45+s3+$0x0], $0xffff  }
0x163: {  	v47 =	vadd.s32 $0x6E, v34;
	_ =	sdelay $0x3  }
0x164: {  	[tilespmem:v46+s18+$0x0] =	vst.idx.msk $0xffff, v35  }
0x165: {  	v48 =	vor.u32 s22, v13;
	v35 =	vld.idx.msk [tilespmem:v47+s3+$0x0], $0xffff  }
0x166: {  	v49 =	vadd.s32 $0x78, v34;
	_ =	sdelay $0x3  }
0x167: {  	[tilespmem:v48+s18+$0x0] =	vst.idx.msk $0xffff, v35  }
0x168: {  	v50 =	vor.u32 s22, v14;
	v35 =	vld.idx.msk [tilespmem:v49+s3+$0x0], $0xffff  }
0x169: {  	v51 =	vadd.s32 $0x82, v34;
	_ =	sdelay $0x3  }
0x16a: {  	[tilespmem:v50+s18+$0x0] =	vst.idx.msk $0xffff, v35  }
0x16b: {  	v52 =	vor.u32 s22, v15;
	v35 =	vld.idx.msk [tilespmem:v51+s3+$0x0], $0xffff  }
0x16c: {  	v53 =	vadd.s32 $0x8C, v34;
	_ =	sdelay $0x3  }
0x16d: {  	[tilespmem:v52+s18+$0x0] =	vst.idx.msk $0xffff, v35  }
0x16e: {  	v54 =	vor.u32 s22, v16;
	v35 =	vld.idx.msk [tilespmem:v53+s3+$0x0], $0xffff  }
0x16f: {  	v55 =	vadd.s32 $0x96, v34;
	_ =	sdelay $0x3  }
0x170: {  	[tilespmem:v54+s18+$0x0] =	vst.idx.msk $0xffff, v35  }
0x171: {  	v56 =	vor.u32 s22, v17;
	v35 =	vld.idx.msk [tilespmem:v55+s3+$0x0], $0xffff  }
0x172: {  	v57 =	vadd.s32 $0xA0, v34;
	_ =	sdelay $0x3  }
0x173: {  	[tilespmem:v56+s18+$0x0] =	vst.idx.msk $0xffff, v35  }
0x174: {  	v58 =	vor.u32 s22, v18;
	v35 =	vld.idx.msk [tilespmem:v57+s3+$0x0], $0xffff  }
0x175: {  	v59 =	vadd.s32 $0xAA, v34;
	_ =	sdelay $0x3  }
0x176: {  	[tilespmem:v58+s18+$0x0] =	vst.idx.msk $0xffff, v35  }
0x177: {  	v60 =	vor.u32 s22, v19;
	v35 =	vld.idx.msk [tilespmem:v59+s3+$0x0], $0xffff  }
0x178: {  	v61 =	vadd.s32 $0xB4, v34;
	_ =	sdelay $0x3  }
0x179: {  	[tilespmem:v60+s18+$0x0] =	vst.idx.msk $0xffff, v35  }
0x17a: {  	v62 =	vor.u32 s22, v20;
	v35 =	vld.idx.msk [tilespmem:v61+s3+$0x0], $0xffff  }
0x17b: {  	v63 =	vadd.s32 $0xBE, v34;
	_ =	sdelay $0x3  }
0x17c: {  	[tilespmem:v62+s18+$0x0] =	vst.idx.msk $0xffff, v35  }
0x17d: {  	v40 =	vor.u32 s22, v21;
	v35 =	vld.idx.msk [tilespmem:v63+s3+$0x0], $0xffff  }
0x17e: {  	v41 =	vadd.s32 $0xC8, v34;
	_ =	sdelay $0x3  }
0x17f: {  	[tilespmem:v40+s18+$0x0] =	vst.idx.msk $0xffff, v35  }
0x180: {  	v42 =	vor.u32 s22, v22;
	v35 =	vld.idx.msk [tilespmem:v41+s3+$0x0], $0xffff  }
0x181: {  	v43 =	vadd.s32 $0xD2, v34;
	_ =	sdelay $0x3  }
0x182: {  	[tilespmem:v42+s18+$0x0] =	vst.idx.msk $0xffff, v35  }
0x183: {  	v44 =	vor.u32 s22, v23;
	v35 =	vld.idx.msk [tilespmem:v43+s3+$0x0], $0xffff  }
0x184: {  	v45 =	vadd.s32 $0xDC, v34;
	_ =	sdelay $0x3  }
0x185: {  	[tilespmem:v44+s18+$0x0] =	vst.idx.msk $0xffff, v35  }
0x186: {  	v46 =	vor.u32 s22, v24;
	v35 =	vld.idx.msk [tilespmem:v45+s3+$0x0], $0xffff  }
0x187: {  	v47 =	vadd.s32 $0xE6, v34;
	_ =	sdelay $0x3  }
0x188: {  	[tilespmem:v46+s18+$0x0] =	vst.idx.msk $0xffff, v35  }
0x189: {  	v48 =	vor.u32 s22, v25;
	v35 =	vld.idx.msk [tilespmem:v47+s3+$0x0], $0xffff  }
0x18a: {  	v49 =	vadd.s32 $0xF0, v34;
	_ =	sdelay $0x3  }
0x18b: {  	[tilespmem:v48+s18+$0x0] =	vst.idx.msk $0xffff, v35  }
0x18c: {  	v50 =	vor.u32 s22, v26;
	v35 =	vld.idx.msk [tilespmem:v49+s3+$0x0], $0xffff  }
0x18d: {  	v51 =	vadd.s32 $0xFA, v34;
	_ =	sdelay $0x3  }
0x18e: {  	[tilespmem:v50+s18+$0x0] =	vst.idx.msk $0xffff, v35  }
0x18f: {  	v52 =	vor.u32 s22, v27;
	v35 =	vld.idx.msk [tilespmem:v51+s3+$0x0], $0xffff  }
0x190: {  	v53 =	vadd.s32 $0x104, v34;
	_ =	sdelay $0x3  }
0x191: {  	[tilespmem:v52+s18+$0x0] =	vst.idx.msk $0xffff, v35  }
0x192: {  	v54 =	vor.u32 s22, v28;
	v35 =	vld.idx.msk [tilespmem:v53+s3+$0x0], $0xffff  }
0x193: {  	v55 =	vadd.s32 $0x10E, v34;
	_ =	sdelay $0x3  }
0x194: {  	[tilespmem:v54+s18+$0x0] =	vst.idx.msk $0xffff, v35  }
0x195: {  	v56 =	vor.u32 s22, v29;
	v35 =	vld.idx.msk [tilespmem:v55+s3+$0x0], $0xffff  }
0x196: {  	v57 =	vadd.s32 $0x118, v34;
	_ =	sdelay $0x3  }
0x197: {  	[tilespmem:v56+s18+$0x0] =	vst.idx.msk $0xffff, v35  }
0x198: {  	v58 =	vor.u32 s22, v30;
	v35 =	vld.idx.msk [tilespmem:v57+s3+$0x0], $0xffff  }
0x199: {  	v59 =	vadd.s32 $0x122, v34;
	_ =	sdelay $0x3  }
0x19a: {  	[tilespmem:v58+s18+$0x0] =	vst.idx.msk $0xffff, v35  }
0x19b: {  	v60 =	vor.u32 s22, v31;
	v35 =	vld.idx.msk [tilespmem:v59+s3+$0x0], $0xffff  }
0x19c: {  	v61 =	vadd.s32 $0x12C, v34;
	_ =	sdelay $0x3  }
0x19d: {  	[tilespmem:v60+s18+$0x0] =	vst.idx.msk $0xffff, v35  }
0x19e: {  	v62 =	vor.u32 s22, v32;
	v35 =	vld.idx.msk [tilespmem:v61+s3+$0x0], $0xffff  }
0x19f: {  	v34 =	vadd.s32 $0x136, v34;
	_ =	sdelay $0x3  }
0x1a0: {  	[tilespmem:v62+s18+$0x0] =	vst.idx.msk $0xffff, v35  }
0x1a1: {  	v63 =	vor.u32 s22, v33;
	v34 =	vld.idx.msk [tilespmem:v34+s3+$0x0], $0xffff  }
0x1a2: {  	p0 =	seq.s32 s21, $0x0  }
.Ltmp6:
0x1a3: {  	s31 =	sshll.u32 s20, $0xF;
	(pc) =	sbr.rel @p0 .LBB2_9-.Ltmp6, $4  }
0x1a4: {  	s22 =	sadd.s32 s8, s31  }
0x1a5: {  	s22 =	sshrl.u32 s22, $0x3  }
0x1a6: {  	s22 =	sadd.s32 s2, s22;
	[tilespmem:v63+s18+$0x0] =	vst.idx.msk $0xffff, v34  }
0x1a7: {  	[hbm4b:s22+s3] =	stream.linear.scatter [tilespmem:s18], [sflag:$0x3], $0x8000, $0x38;
	[tilespmem:$0x1D940] =	vst v63  }
.LBB2_6:
0x1a8: {  	p0 =	seq.s32 s20, $0x18  }
0x1a9: {  	s21 =	sshll.u32 @!p0 s20, $0xA  }
0x1aa: {  	s21 =	sadd.s32 @!p0 s21, s7  }
0x1ab: {  	_ =	swait.ge [sflag:s12], $0x6C00;
	s21 =	smul.u32 @!p0 $0x1B, s21  }
0x1ac: {  	s29 =	simm.s32 $0xB;
	[sflag:s12] =	ssyncset.done $0x0  }
0x1ad: {  	s22 =	simm.s32 @!p0 $0x0;
	s23 =	simm.s32 @!p0 $0x140;
	s21 =	sshrl.u32 @!p0 s21, $0x3  }
0x1ae: {  	p1 =	slt.u32 @!p0 s20, $0x2;
	[sflag:s12] =	ssyncadd.s32 $0xFFFF9400;
	s21 =	sadd.s32 @!p0 s4, s21  }
0x1af: {  	v34 =	vadd.s32 s29, v1;
	[tilespmem:s23], [sflag:$0x1] =	stream.linear.gather @!p0 [hbm4b:s21+s22], $0x6C00, $0x38;
	[tilespmem:$0x1D940] =	vst v63  }
0x1b0: {  	s30 =	simm.s32 $0xA;
	p0 =	por p0, !p1  }
0x1b1: {  	v35 =	vadd.s32 s30, v1;
	_ =	swait.ge @p0 [sflag:s13], $0x8000  }
0x1b2: {  	[sflag:s13] =	ssyncset.done @p0 $0x0  }
0x1b3: {  	[sflag:s13] =	ssyncadd.s32 @p0 $0xFFFF8000  }
0x1b4: {  	v34 =	vld.idx.msk [tilespmem:v34+s14+$0x0], $0xffff;
	_ =	sdelay $0x1  }
0x1b5: {  	v35 =	vld.idx.msk [tilespmem:v35+s14+$0x0], $0xffff;
	_ =	sdelay $0x2  }
0x1b6: {  	v36 =	vmul.f32 $1.250000000e-01, v34;
	v37 =	vmul.f32 $7.500000000e-01, v34  }
0x1b7: {  	v38 =	vmul.f32 $2.500000000e-01, v34;
	v39 =	vmul.f32 $3.750000000e-01, v34  }
0x1b8: {  	vm0 =	vlt.f32 v34, v35;
	v40 =	vmul.f32 $0.0e+00, v34;
	v61 =	vmul.f32 $5.000000000e-01, v34  }
0x1b9: {  	v44 =	vmul.f32 $6.250000000e-01, v34;
	v34 =	vmul.f32 $8.750000000e-01, v34;
	vm1 =	vlt.f32 v36, v35  }
0x1ba: {  	v62 =	vsel vm0, $0x1, v2;
	vm11 =	vlt.f32 v40, v35;
	v41 =	vsel vm1, $0x1, v2  }
0x1bb: {  	vm10 =	vlt.f32 v38, v35;
	v63 =	vsel vm11, $0x1, v2;
	v38 =	vadd.s32 v62, v41  }
0x1bc: {  	vm2 =	vlt.f32 v39, v35;
	v45 =	vsel vm10, $0x1, v2;
	v38 =	vadd.s32 v63, v38  }
0x1bd: {  	vm12 =	vlt.f32 v61, v35;
	v46 =	vsel vm2, $0x1, v2;
	v36 =	vadd.s32 v45, v38  }
0x1be: {  	vm13 =	vlt.f32 v44, v35;
	v47 =	vsel vm12, $0x1, v2;
	v36 =	vadd.s32 v46, v36  }
0x1bf: {  	vm14 =	vlt.f32 v37, v35;
	v48 =	vsel vm13, $0x1, v2;
	v36 =	vadd.s32 v47, v36  }
0x1c0: {  	vm15 =	vlt.f32 v34, v35;
	v49 =	vsel vm14, $0x1, v2;
	v50 =	vadd.s32 v48, v36  }
0x1c1: {  	v35 =	vsel vm15, $0x1, v2;
	v34 =	vadd.s32 v49, v50  }
0x1c2: {  	v34 =	vadd.s32 v35, v34;
	_ =	sdelay $0x3  }
0x1c3: {  	s21 =	simm.s32 $0x0  }
0x1c4: {  	v51 =	vor.u32 s21, v0;
	v35 =	vld.idx.msk [tilespmem:v34+s3+$0x0], $0xffff  }
0x1c5: {  	v52 =	vadd.s32 $0xA, v34;
	_ =	sdelay $0x3  }
0x1c6: {  	[tilespmem:v51+s15+$0x0] =	vst.idx.msk $0xffff, v35  }
0x1c7: {  	v53 =	vor.u32 s21, v3;
	v35 =	vld.idx.msk [tilespmem:v52+s3+$0x0], $0xffff  }
0x1c8: {  	v54 =	vadd.s32 $0x14, v34;
	_ =	sdelay $0x3  }
0x1c9: {  	[tilespmem:v53+s15+$0x0] =	vst.idx.msk $0xffff, v35  }
0x1ca: {  	v55 =	vor.u32 s21, v4;
	v35 =	vld.idx.msk [tilespmem:v54+s3+$0x0], $0xffff  }
0x1cb: {  	v56 =	vadd.s32 $0x1E, v34;
	_ =	sdelay $0x3  }
0x1cc: {  	[tilespmem:v55+s15+$0x0] =	vst.idx.msk $0xffff, v35  }
0x1cd: {  	v57 =	vor.u32 s21, v5;
	v35 =	vld.idx.msk [tilespmem:v56+s3+$0x0], $0xffff  }
0x1ce: {  	v58 =	vadd.s32 $0x28, v34;
	_ =	sdelay $0x3  }
0x1cf: {  	[tilespmem:v57+s15+$0x0] =	vst.idx.msk $0xffff, v35  }
0x1d0: {  	v59 =	vor.u32 s21, v6;
	v35 =	vld.idx.msk [tilespmem:v58+s3+$0x0], $0xffff  }
0x1d1: {  	v60 =	vadd.s32 $0x32, v34;
	_ =	sdelay $0x3  }
0x1d2: {  	[tilespmem:v59+s15+$0x0] =	vst.idx.msk $0xffff, v35  }
0x1d3: {  	v61 =	vor.u32 s21, v7;
	v35 =	vld.idx.msk [tilespmem:v60+s3+$0x0], $0xffff  }
0x1d4: {  	v62 =	vadd.s32 $0x3C, v34;
	_ =	sdelay $0x3  }
0x1d5: {  	[tilespmem:v61+s15+$0x0] =	vst.idx.msk $0xffff, v35  }
0x1d6: {  	v63 =	vor.u32 s21, v8;
	v35 =	vld.idx.msk [tilespmem:v62+s3+$0x0], $0xffff  }
0x1d7: {  	v40 =	vadd.s32 $0x46, v34;
	_ =	sdelay $0x3  }
0x1d8: {  	[tilespmem:v63+s15+$0x0] =	vst.idx.msk $0xffff, v35  }
0x1d9: {  	v41 =	vor.u32 s21, v9;
	v35 =	vld.idx.msk [tilespmem:v40+s3+$0x0], $0xffff  }
0x1da: {  	v42 =	vadd.s32 $0x50, v34;
	_ =	sdelay $0x3  }
0x1db: {  	[tilespmem:v41+s15+$0x0] =	vst.idx.msk $0xffff, v35  }
0x1dc: {  	v43 =	vor.u32 s21, v10;
	v35 =	vld.idx.msk [tilespmem:v42+s3+$0x0], $0xffff  }
0x1dd: {  	v44 =	vadd.s32 $0x5A, v34;
	_ =	sdelay $0x3  }
0x1de: {  	[tilespmem:v43+s15+$0x0] =	vst.idx.msk $0xffff, v35  }
0x1df: {  	v45 =	vor.u32 s21, v11;
	v35 =	vld.idx.msk [tilespmem:v44+s3+$0x0], $0xffff  }
0x1e0: {  	v46 =	vadd.s32 $0x64, v34;
	_ =	sdelay $0x3  }
0x1e1: {  	[tilespmem:v45+s15+$0x0] =	vst.idx.msk $0xffff, v35  }
0x1e2: {  	v47 =	vor.u32 s21, v12;
	v35 =	vld.idx.msk [tilespmem:v46+s3+$0x0], $0xffff  }
0x1e3: {  	v48 =	vadd.s32 $0x6E, v34;
	_ =	sdelay $0x3  }
0x1e4: {  	[tilespmem:v47+s15+$0x0] =	vst.idx.msk $0xffff, v35  }
0x1e5: {  	v49 =	vor.u32 s21, v13;
	v35 =	vld.idx.msk [tilespmem:v48+s3+$0x0], $0xffff  }
0x1e6: {  	v50 =	vadd.s32 $0x78, v34;
	_ =	sdelay $0x3  }
0x1e7: {  	[tilespmem:v49+s15+$0x0] =	vst.idx.msk $0xffff, v35  }
0x1e8: {  	v51 =	vor.u32 s21, v14;
	v35 =	vld.idx.msk [tilespmem:v50+s3+$0x0], $0xffff  }
0x1e9: {  	v52 =	vadd.s32 $0x82, v34;
	_ =	sdelay $0x3  }
0x1ea: {  	[tilespmem:v51+s15+$0x0] =	vst.idx.msk $0xffff, v35  }
0x1eb: {  	v53 =	vor.u32 s21, v15;
	v35 =	vld.idx.msk [tilespmem:v52+s3+$0x0], $0xffff  }
0x1ec: {  	v54 =	vadd.s32 $0x8C, v34;
	_ =	sdelay $0x3  }
0x1ed: {  	[tilespmem:v53+s15+$0x0] =	vst.idx.msk $0xffff, v35  }
0x1ee: {  	v55 =	vor.u32 s21, v16;
	v35 =	vld.idx.msk [tilespmem:v54+s3+$0x0], $0xffff  }
0x1ef: {  	v56 =	vadd.s32 $0x96, v34;
	_ =	sdelay $0x3  }
0x1f0: {  	[tilespmem:v55+s15+$0x0] =	vst.idx.msk $0xffff, v35  }
0x1f1: {  	v57 =	vor.u32 s21, v17;
	v35 =	vld.idx.msk [tilespmem:v56+s3+$0x0], $0xffff  }
0x1f2: {  	v58 =	vadd.s32 $0xA0, v34;
	_ =	sdelay $0x3  }
0x1f3: {  	[tilespmem:v57+s15+$0x0] =	vst.idx.msk $0xffff, v35  }
0x1f4: {  	v59 =	vor.u32 s21, v18;
	v35 =	vld.idx.msk [tilespmem:v58+s3+$0x0], $0xffff  }
0x1f5: {  	v60 =	vadd.s32 $0xAA, v34;
	_ =	sdelay $0x3  }
0x1f6: {  	[tilespmem:v59+s15+$0x0] =	vst.idx.msk $0xffff, v35  }
0x1f7: {  	v61 =	vor.u32 s21, v19;
	v35 =	vld.idx.msk [tilespmem:v60+s3+$0x0], $0xffff  }
0x1f8: {  	v62 =	vadd.s32 $0xB4, v34;
	_ =	sdelay $0x3  }
0x1f9: {  	[tilespmem:v61+s15+$0x0] =	vst.idx.msk $0xffff, v35  }
0x1fa: {  	v63 =	vor.u32 s21, v20;
	v35 =	vld.idx.msk [tilespmem:v62+s3+$0x0], $0xffff  }
0x1fb: {  	v40 =	vadd.s32 $0xBE, v34;
	_ =	sdelay $0x3  }
0x1fc: {  	[tilespmem:v63+s15+$0x0] =	vst.idx.msk $0xffff, v35  }
0x1fd: {  	v41 =	vor.u32 s21, v21;
	v35 =	vld.idx.msk [tilespmem:v40+s3+$0x0], $0xffff  }
0x1fe: {  	v42 =	vadd.s32 $0xC8, v34;
	_ =	sdelay $0x3  }
0x1ff: {  	[tilespmem:v41+s15+$0x0] =	vst.idx.msk $0xffff, v35  }
0x200: {  	v43 =	vor.u32 s21, v22;
	v35 =	vld.idx.msk [tilespmem:v42+s3+$0x0], $0xffff  }
0x201: {  	v44 =	vadd.s32 $0xD2, v34;
	_ =	sdelay $0x3  }
0x202: {  	[tilespmem:v43+s15+$0x0] =	vst.idx.msk $0xffff, v35  }
0x203: {  	v45 =	vor.u32 s21, v23;
	v35 =	vld.idx.msk [tilespmem:v44+s3+$0x0], $0xffff  }
0x204: {  	v46 =	vadd.s32 $0xDC, v34;
	_ =	sdelay $0x3  }
0x205: {  	[tilespmem:v45+s15+$0x0] =	vst.idx.msk $0xffff, v35  }
0x206: {  	v47 =	vor.u32 s21, v24;
	v35 =	vld.idx.msk [tilespmem:v46+s3+$0x0], $0xffff  }
0x207: {  	v48 =	vadd.s32 $0xE6, v34;
	_ =	sdelay $0x3  }
0x208: {  	[tilespmem:v47+s15+$0x0] =	vst.idx.msk $0xffff, v35  }
0x209: {  	v49 =	vor.u32 s21, v25;
	v35 =	vld.idx.msk [tilespmem:v48+s3+$0x0], $0xffff  }
0x20a: {  	v50 =	vadd.s32 $0xF0, v34;
	_ =	sdelay $0x3  }
0x20b: {  	[tilespmem:v49+s15+$0x0] =	vst.idx.msk $0xffff, v35  }
0x20c: {  	v51 =	vor.u32 s21, v26;
	v35 =	vld.idx.msk [tilespmem:v50+s3+$0x0], $0xffff  }
0x20d: {  	v52 =	vadd.s32 $0xFA, v34;
	_ =	sdelay $0x3  }
0x20e: {  	[tilespmem:v51+s15+$0x0] =	vst.idx.msk $0xffff, v35  }
0x20f: {  	v53 =	vor.u32 s21, v27;
	v35 =	vld.idx.msk [tilespmem:v52+s3+$0x0], $0xffff  }
0x210: {  	v54 =	vadd.s32 $0x104, v34;
	_ =	sdelay $0x3  }
0x211: {  	[tilespmem:v53+s15+$0x0] =	vst.idx.msk $0xffff, v35  }
0x212: {  	v55 =	vor.u32 s21, v28;
	v35 =	vld.idx.msk [tilespmem:v54+s3+$0x0], $0xffff  }
0x213: {  	v56 =	vadd.s32 $0x10E, v34;
	_ =	sdelay $0x3  }
0x214: {  	[tilespmem:v55+s15+$0x0] =	vst.idx.msk $0xffff, v35  }
0x215: {  	v57 =	vor.u32 s21, v29;
	v35 =	vld.idx.msk [tilespmem:v56+s3+$0x0], $0xffff  }
0x216: {  	v58 =	vadd.s32 $0x118, v34;
	_ =	sdelay $0x3  }
0x217: {  	[tilespmem:v57+s15+$0x0] =	vst.idx.msk $0xffff, v35  }
0x218: {  	v59 =	vor.u32 s21, v30;
	v35 =	vld.idx.msk [tilespmem:v58+s3+$0x0], $0xffff  }
0x219: {  	v60 =	vadd.s32 $0x122, v34;
	_ =	sdelay $0x3  }
0x21a: {  	[tilespmem:v59+s15+$0x0] =	vst.idx.msk $0xffff, v35  }
0x21b: {  	v61 =	vor.u32 s21, v31;
	v35 =	vld.idx.msk [tilespmem:v60+s3+$0x0], $0xffff  }
0x21c: {  	v62 =	vadd.s32 $0x12C, v34;
	_ =	sdelay $0x3  }
0x21d: {  	[tilespmem:v61+s15+$0x0] =	vst.idx.msk $0xffff, v35  }
0x21e: {  	v63 =	vor.u32 s21, v32;
	v35 =	vld.idx.msk [tilespmem:v62+s3+$0x0], $0xffff  }
0x21f: {  	v34 =	vadd.s32 $0x136, v34;
	_ =	sdelay $0x3  }
0x220: {  	[tilespmem:v63+s15+$0x0] =	vst.idx.msk $0xffff, v35  }
0x221: {  	s31 =	simm.s32 $0x1BB;
	v35 =	vor.u32 s21, v33;
	v34 =	vld.idx.msk [tilespmem:v34+s3+$0x0], $0xffff  }
0x222: {  	s24 =	simm.s32 $0x1BA;
	v36 =	vadd.s32 s31, v1  }
0x223: {  	s22 =	simm.s32 $0x36B;
	v37 =	vadd.s32 s24, v1  }
.LBB2_7:
0x224: {  	p0 =	sne.s32 s22, $0x6A5B  }
0x225: {  	s21 =	sadd.s32 $0x200, s21;
	s23 =	smov.u32 s22;
	s22 =	sadd.s32 $0x1B0, s22  }
0x226: {  	[tilespmem:v35+s15+$0x0] =	vst.idx.msk $0xffff, v34  }
0x227: {  	v34 =	vld.idx.msk [tilespmem:v36+s14+$0x0], $0xffff  }
0x228: {  	v35 =	vld.idx.msk [tilespmem:v37+s14+$0x0], $0xffff;
	_ =	sdelay $0x4  }
0x229: {  	v36 =	vmul.f32 $1.250000000e-01, v34;
	v37 =	vmul.f32 $7.500000000e-01, v34  }
0x22a: {  	v38 =	vmul.f32 $2.500000000e-01, v34;
	v39 =	vmul.f32 $3.750000000e-01, v34;
	vm0 =	vlt.f32 v34, v35  }
0x22b: {  	v40 =	vmul.f32 $0.0e+00, v34;
	vm1 =	vlt.f32 v36, v35;
	v36 =	vmul.f32 $5.000000000e-01, v34  }
0x22c: {  	v41 =	vsel vm1, $0x1, v2;
	vm1 =	vlt.f32 v38, v35;
	v38 =	vsel vm0, $0x1, v2  }
0x22d: {  	vm2 =	vlt.f32 v39, v35;
	vm0 =	vlt.f32 v40, v35;
	v38 =	vadd.s32 v38, v41  }
0x22e: {  	v39 =	vsel vm0, $0x1, v2;
	vm0 =	vlt.f32 v36, v35;
	v36 =	vmul.f32 $6.250000000e-01, v34  }
0x22f: {  	v40 =	vsel vm1, $0x1, v2;
	vm1 =	vlt.f32 v37, v35;
	v37 =	vadd.s32 v39, v38  }
0x230: {  	v38 =	vsel vm2, $0x1, v2;
	vm2 =	vlt.f32 v36, v35;
	v36 =	vadd.s32 v40, v37  }
0x231: {  	v34 =	vmul.f32 $8.750000000e-01, v34;
	v37 =	vsel vm0, $0x1, v2;
	v36 =	vadd.s32 v38, v36  }
0x232: {  	v38 =	vsel vm2, $0x1, v2;
	v36 =	vadd.s32 v37, v36  }
0x233: {  	vm0 =	vlt.f32 v34, v35;
	v37 =	vsel vm1, $0x1, v2;
	v34 =	vadd.s32 v38, v36  }
0x234: {  	v35 =	vsel vm0, $0x1, v2;
	v34 =	vadd.s32 v37, v34  }
0x235: {  	v34 =	vadd.s32 v35, v34;
	_ =	sdelay $0x4  }
0x236: {  	v35 =	vld.idx.msk [tilespmem:v34+s3+$0x0], $0xffff  }
0x237: {  	v36 =	vor.u32 s21, v0  }
0x238: {  	v37 =	vadd.s32 $0xA, v34;
	_ =	sdelay $0x3  }
0x239: {  	[tilespmem:v36+s15+$0x0] =	vst.idx.msk $0xffff, v35  }
0x23a: {  	v35 =	vld.idx.msk [tilespmem:v37+s3+$0x0], $0xffff  }
0x23b: {  	v36 =	vor.u32 s21, v3  }
0x23c: {  	v37 =	vadd.s32 $0x14, v34;
	_ =	sdelay $0x3  }
0x23d: {  	[tilespmem:v36+s15+$0x0] =	vst.idx.msk $0xffff, v35  }
0x23e: {  	v35 =	vld.idx.msk [tilespmem:v37+s3+$0x0], $0xffff  }
0x23f: {  	v36 =	vor.u32 s21, v4  }
0x240: {  	v37 =	vadd.s32 $0x1E, v34;
	_ =	sdelay $0x3  }
0x241: {  	[tilespmem:v36+s15+$0x0] =	vst.idx.msk $0xffff, v35  }
0x242: {  	v35 =	vld.idx.msk [tilespmem:v37+s3+$0x0], $0xffff  }
0x243: {  	v36 =	vor.u32 s21, v5  }
0x244: {  	v37 =	vadd.s32 $0x28, v34;
	_ =	sdelay $0x3  }
0x245: {  	[tilespmem:v36+s15+$0x0] =	vst.idx.msk $0xffff, v35  }
0x246: {  	v35 =	vld.idx.msk [tilespmem:v37+s3+$0x0], $0xffff  }
0x247: {  	v36 =	vor.u32 s21, v6  }
0x248: {  	v37 =	vadd.s32 $0x32, v34;
	_ =	sdelay $0x3  }
0x249: {  	[tilespmem:v36+s15+$0x0] =	vst.idx.msk $0xffff, v35  }
0x24a: {  	v35 =	vld.idx.msk [tilespmem:v37+s3+$0x0], $0xffff  }
0x24b: {  	v36 =	vor.u32 s21, v7  }
0x24c: {  	v37 =	vadd.s32 $0x3C, v34;
	_ =	sdelay $0x3  }
0x24d: {  	[tilespmem:v36+s15+$0x0] =	vst.idx.msk $0xffff, v35  }
0x24e: {  	v35 =	vld.idx.msk [tilespmem:v37+s3+$0x0], $0xffff  }
0x24f: {  	v36 =	vor.u32 s21, v8  }
0x250: {  	v37 =	vadd.s32 $0x46, v34;
	_ =	sdelay $0x3  }
0x251: {  	[tilespmem:v36+s15+$0x0] =	vst.idx.msk $0xffff, v35  }
0x252: {  	v35 =	vld.idx.msk [tilespmem:v37+s3+$0x0], $0xffff  }
0x253: {  	v36 =	vor.u32 s21, v9  }
0x254: {  	v37 =	vadd.s32 $0x50, v34;
	_ =	sdelay $0x3  }
0x255: {  	[tilespmem:v36+s15+$0x0] =	vst.idx.msk $0xffff, v35  }
0x256: {  	v35 =	vld.idx.msk [tilespmem:v37+s3+$0x0], $0xffff  }
0x257: {  	v36 =	vor.u32 s21, v10  }
0x258: {  	v37 =	vadd.s32 $0x5A, v34;
	_ =	sdelay $0x3  }
0x259: {  	[tilespmem:v36+s15+$0x0] =	vst.idx.msk $0xffff, v35  }
0x25a: {  	v35 =	vld.idx.msk [tilespmem:v37+s3+$0x0], $0xffff  }
0x25b: {  	v36 =	vor.u32 s21, v11  }
0x25c: {  	v37 =	vadd.s32 $0x64, v34;
	_ =	sdelay $0x3  }
0x25d: {  	[tilespmem:v36+s15+$0x0] =	vst.idx.msk $0xffff, v35  }
0x25e: {  	v35 =	vld.idx.msk [tilespmem:v37+s3+$0x0], $0xffff  }
0x25f: {  	v36 =	vor.u32 s21, v12  }
0x260: {  	v37 =	vadd.s32 $0x6E, v34;
	_ =	sdelay $0x3  }
0x261: {  	[tilespmem:v36+s15+$0x0] =	vst.idx.msk $0xffff, v35  }
0x262: {  	v35 =	vld.idx.msk [tilespmem:v37+s3+$0x0], $0xffff  }
0x263: {  	v36 =	vor.u32 s21, v13  }
0x264: {  	v37 =	vadd.s32 $0x78, v34;
	_ =	sdelay $0x3  }
0x265: {  	[tilespmem:v36+s15+$0x0] =	vst.idx.msk $0xffff, v35  }
0x266: {  	v35 =	vld.idx.msk [tilespmem:v37+s3+$0x0], $0xffff  }
0x267: {  	v36 =	vor.u32 s21, v14  }
0x268: {  	v37 =	vadd.s32 $0x82, v34;
	_ =	sdelay $0x3  }
0x269: {  	[tilespmem:v36+s15+$0x0] =	vst.idx.msk $0xffff, v35  }
0x26a: {  	v35 =	vld.idx.msk [tilespmem:v37+s3+$0x0], $0xffff  }
0x26b: {  	v36 =	vor.u32 s21, v15  }
0x26c: {  	v37 =	vadd.s32 $0x8C, v34;
	_ =	sdelay $0x3  }
0x26d: {  	[tilespmem:v36+s15+$0x0] =	vst.idx.msk $0xffff, v35  }
0x26e: {  	v35 =	vld.idx.msk [tilespmem:v37+s3+$0x0], $0xffff  }
0x26f: {  	v36 =	vor.u32 s21, v16  }
0x270: {  	v37 =	vadd.s32 $0x96, v34;
	_ =	sdelay $0x3  }
0x271: {  	[tilespmem:v36+s15+$0x0] =	vst.idx.msk $0xffff, v35  }
0x272: {  	v35 =	vld.idx.msk [tilespmem:v37+s3+$0x0], $0xffff  }
0x273: {  	v36 =	vor.u32 s21, v17  }
0x274: {  	v37 =	vadd.s32 $0xA0, v34;
	_ =	sdelay $0x3  }
0x275: {  	[tilespmem:v36+s15+$0x0] =	vst.idx.msk $0xffff, v35  }
0x276: {  	v35 =	vld.idx.msk [tilespmem:v37+s3+$0x0], $0xffff  }
0x277: {  	v36 =	vor.u32 s21, v18  }
0x278: {  	v37 =	vadd.s32 $0xAA, v34;
	_ =	sdelay $0x3  }
0x279: {  	[tilespmem:v36+s15+$0x0] =	vst.idx.msk $0xffff, v35  }
0x27a: {  	v35 =	vld.idx.msk [tilespmem:v37+s3+$0x0], $0xffff  }
0x27b: {  	v36 =	vor.u32 s21, v19  }
0x27c: {  	v37 =	vadd.s32 $0xB4, v34;
	_ =	sdelay $0x3  }
0x27d: {  	[tilespmem:v36+s15+$0x0] =	vst.idx.msk $0xffff, v35  }
0x27e: {  	v35 =	vld.idx.msk [tilespmem:v37+s3+$0x0], $0xffff  }
0x27f: {  	v36 =	vor.u32 s21, v20  }
0x280: {  	v37 =	vadd.s32 $0xBE, v34;
	_ =	sdelay $0x3  }
0x281: {  	[tilespmem:v36+s15+$0x0] =	vst.idx.msk $0xffff, v35  }
0x282: {  	v35 =	vld.idx.msk [tilespmem:v37+s3+$0x0], $0xffff  }
0x283: {  	v36 =	vor.u32 s21, v21  }
0x284: {  	v37 =	vadd.s32 $0xC8, v34;
	_ =	sdelay $0x3  }
0x285: {  	[tilespmem:v36+s15+$0x0] =	vst.idx.msk $0xffff, v35  }
0x286: {  	v35 =	vld.idx.msk [tilespmem:v37+s3+$0x0], $0xffff  }
0x287: {  	v36 =	vor.u32 s21, v22  }
0x288: {  	v37 =	vadd.s32 $0xD2, v34;
	_ =	sdelay $0x3  }
0x289: {  	[tilespmem:v36+s15+$0x0] =	vst.idx.msk $0xffff, v35  }
0x28a: {  	v35 =	vld.idx.msk [tilespmem:v37+s3+$0x0], $0xffff  }
0x28b: {  	v36 =	vor.u32 s21, v23  }
0x28c: {  	v37 =	vadd.s32 $0xDC, v34;
	_ =	sdelay $0x3  }
0x28d: {  	[tilespmem:v36+s15+$0x0] =	vst.idx.msk $0xffff, v35  }
0x28e: {  	v35 =	vld.idx.msk [tilespmem:v37+s3+$0x0], $0xffff  }
0x28f: {  	v36 =	vor.u32 s21, v24  }
0x290: {  	v37 =	vadd.s32 $0xE6, v34;
	_ =	sdelay $0x3  }
0x291: {  	[tilespmem:v36+s15+$0x0] =	vst.idx.msk $0xffff, v35  }
0x292: {  	v35 =	vld.idx.msk [tilespmem:v37+s3+$0x0], $0xffff  }
0x293: {  	v36 =	vor.u32 s21, v25  }
0x294: {  	v37 =	vadd.s32 $0xF0, v34;
	_ =	sdelay $0x3  }
0x295: {  	[tilespmem:v36+s15+$0x0] =	vst.idx.msk $0xffff, v35  }
0x296: {  	v35 =	vld.idx.msk [tilespmem:v37+s3+$0x0], $0xffff  }
0x297: {  	v36 =	vor.u32 s21, v26  }
0x298: {  	v37 =	vadd.s32 $0xFA, v34;
	_ =	sdelay $0x3  }
0x299: {  	[tilespmem:v36+s15+$0x0] =	vst.idx.msk $0xffff, v35  }
0x29a: {  	v35 =	vld.idx.msk [tilespmem:v37+s3+$0x0], $0xffff  }
0x29b: {  	v36 =	vor.u32 s21, v27  }
0x29c: {  	v37 =	vadd.s32 $0x104, v34;
	_ =	sdelay $0x3  }
0x29d: {  	[tilespmem:v36+s15+$0x0] =	vst.idx.msk $0xffff, v35  }
0x29e: {  	v35 =	vld.idx.msk [tilespmem:v37+s3+$0x0], $0xffff  }
0x29f: {  	v36 =	vor.u32 s21, v28  }
0x2a0: {  	v37 =	vadd.s32 $0x10E, v34;
	_ =	sdelay $0x3  }
0x2a1: {  	[tilespmem:v36+s15+$0x0] =	vst.idx.msk $0xffff, v35  }
0x2a2: {  	v35 =	vld.idx.msk [tilespmem:v37+s3+$0x0], $0xffff  }
0x2a3: {  	v36 =	vor.u32 s21, v29  }
0x2a4: {  	v37 =	vadd.s32 $0x118, v34;
	_ =	sdelay $0x3  }
0x2a5: {  	[tilespmem:v36+s15+$0x0] =	vst.idx.msk $0xffff, v35  }
0x2a6: {  	v35 =	vld.idx.msk [tilespmem:v37+s3+$0x0], $0xffff  }
0x2a7: {  	v36 =	vor.u32 s21, v30  }
0x2a8: {  	v37 =	vadd.s32 $0x122, v34;
	_ =	sdelay $0x3  }
0x2a9: {  	[tilespmem:v36+s15+$0x0] =	vst.idx.msk $0xffff, v35  }
0x2aa: {  	v35 =	vld.idx.msk [tilespmem:v37+s3+$0x0], $0xffff  }
0x2ab: {  	v36 =	vor.u32 s21, v31  }
0x2ac: {  	v37 =	vadd.s32 $0x12C, v34;
	_ =	sdelay $0x3  }
0x2ad: {  	[tilespmem:v36+s15+$0x0] =	vst.idx.msk $0xffff, v35  }
0x2ae: {  	v35 =	vld.idx.msk [tilespmem:v37+s3+$0x0], $0xffff  }
0x2af: {  	v36 =	vor.u32 s21, v32  }
0x2b0: {  	v34 =	vadd.s32 $0x136, v34;
	_ =	sdelay $0x3  }
.Ltmp7:
0x2b1: {  	[tilespmem:v36+s15+$0x0] =	vst.idx.msk $0xffff, v35;
	(pc) =	sbr.rel @p0 .LBB2_7-.Ltmp7, $4  }
0x2b2: {  	v34 =	vld.idx.msk [tilespmem:v34+s3+$0x0], $0xffff  }
0x2b3: {  	v35 =	vor.u32 s21, v33  }
0x2b4: {  	s24 =	sadd.s32 $0xFFFFFFFF, s23;
	v36 =	vadd.s32 s23, v1  }
0x2b5: {  	v37 =	vadd.s32 s24, v1  }
0x2b6: {  	_ =	sdelay $0x3  }
0x2b7: {  	[tilespmem:v35+s15+$0x0] =	vst.idx.msk $0xffff, v34  }
0x2b8: {  	v34 =	vld.idx.msk [tilespmem:v36+s14+$0x0], $0xffff;
	_ =	sdelay $0x1  }
0x2b9: {  	v35 =	vld.idx.msk [tilespmem:v37+s14+$0x0], $0xffff;
	_ =	sdelay $0x2  }
0x2ba: {  	v36 =	vmul.f32 $1.250000000e-01, v34;
	v59 =	vmul.f32 $7.500000000e-01, v34  }
0x2bb: {  	v38 =	vmul.f32 $2.500000000e-01, v34;
	v39 =	vmul.f32 $3.750000000e-01, v34  }
0x2bc: {  	vm0 =	vlt.f32 v34, v35;
	v40 =	vmul.f32 $0.0e+00, v34;
	v60 =	vmul.f32 $5.000000000e-01, v34  }
0x2bd: {  	v63 =	vmul.f32 $6.250000000e-01, v34;
	v34 =	vmul.f32 $8.750000000e-01, v34;
	vm1 =	vlt.f32 v36, v35  }
0x2be: {  	v61 =	vsel vm0, $0x1, v2;
	vm11 =	vlt.f32 v40, v35;
	v41 =	vsel vm1, $0x1, v2  }
0x2bf: {  	vm10 =	vlt.f32 v38, v35;
	v62 =	vsel vm11, $0x1, v2;
	v38 =	vadd.s32 v61, v41  }
0x2c0: {  	vm2 =	vlt.f32 v39, v35;
	v44 =	vsel vm10, $0x1, v2;
	v38 =	vadd.s32 v62, v38  }
0x2c1: {  	vm12 =	vlt.f32 v60, v35;
	v45 =	vsel vm2, $0x1, v2;
	v36 =	vadd.s32 v44, v38  }
0x2c2: {  	vm13 =	vlt.f32 v63, v35;
	v46 =	vsel vm12, $0x1, v2;
	v36 =	vadd.s32 v45, v36  }
0x2c3: {  	vm14 =	vlt.f32 v59, v35;
	v47 =	vsel vm13, $0x1, v2;
	v36 =	vadd.s32 v46, v36  }
0x2c4: {  	vm15 =	vlt.f32 v34, v35;
	v48 =	vsel vm14, $0x1, v2;
	v49 =	vadd.s32 v47, v36  }
0x2c5: {  	v35 =	vsel vm15, $0x1, v2;
	v34 =	vadd.s32 v48, v49  }
0x2c6: {  	v34 =	vadd.s32 v35, v34;
	_ =	sdelay $0x3  }
0x2c7: {  	s21 =	sadd.s32 $0x200, s21  }
0x2c8: {  	v50 =	vor.u32 s21, v0;
	v35 =	vld.idx.msk [tilespmem:v34+s3+$0x0], $0xffff  }
0x2c9: {  	v51 =	vadd.s32 $0xA, v34;
	_ =	sdelay $0x3  }
0x2ca: {  	[tilespmem:v50+s15+$0x0] =	vst.idx.msk $0xffff, v35  }
0x2cb: {  	v52 =	vor.u32 s21, v3;
	v35 =	vld.idx.msk [tilespmem:v51+s3+$0x0], $0xffff  }
0x2cc: {  	v53 =	vadd.s32 $0x14, v34;
	_ =	sdelay $0x3  }
0x2cd: {  	[tilespmem:v52+s15+$0x0] =	vst.idx.msk $0xffff, v35  }
0x2ce: {  	v54 =	vor.u32 s21, v4;
	v35 =	vld.idx.msk [tilespmem:v53+s3+$0x0], $0xffff  }
0x2cf: {  	v55 =	vadd.s32 $0x1E, v34;
	_ =	sdelay $0x3  }
0x2d0: {  	[tilespmem:v54+s15+$0x0] =	vst.idx.msk $0xffff, v35  }
0x2d1: {  	v56 =	vor.u32 s21, v5;
	v35 =	vld.idx.msk [tilespmem:v55+s3+$0x0], $0xffff  }
0x2d2: {  	v57 =	vadd.s32 $0x28, v34;
	_ =	sdelay $0x3  }
0x2d3: {  	[tilespmem:v56+s15+$0x0] =	vst.idx.msk $0xffff, v35  }
0x2d4: {  	v58 =	vor.u32 s21, v6;
	v35 =	vld.idx.msk [tilespmem:v57+s3+$0x0], $0xffff  }
0x2d5: {  	v59 =	vadd.s32 $0x32, v34;
	_ =	sdelay $0x3  }
0x2d6: {  	[tilespmem:v58+s15+$0x0] =	vst.idx.msk $0xffff, v35  }
0x2d7: {  	v60 =	vor.u32 s21, v7;
	v35 =	vld.idx.msk [tilespmem:v59+s3+$0x0], $0xffff  }
0x2d8: {  	v61 =	vadd.s32 $0x3C, v34;
	_ =	sdelay $0x3  }
0x2d9: {  	[tilespmem:v60+s15+$0x0] =	vst.idx.msk $0xffff, v35  }
0x2da: {  	v62 =	vor.u32 s21, v8;
	v35 =	vld.idx.msk [tilespmem:v61+s3+$0x0], $0xffff  }
0x2db: {  	v63 =	vadd.s32 $0x46, v34;
	_ =	sdelay $0x3  }
0x2dc: {  	[tilespmem:v62+s15+$0x0] =	vst.idx.msk $0xffff, v35  }
0x2dd: {  	v40 =	vor.u32 s21, v9;
	v35 =	vld.idx.msk [tilespmem:v63+s3+$0x0], $0xffff  }
0x2de: {  	v41 =	vadd.s32 $0x50, v34;
	_ =	sdelay $0x3  }
0x2df: {  	[tilespmem:v40+s15+$0x0] =	vst.idx.msk $0xffff, v35  }
0x2e0: {  	v42 =	vor.u32 s21, v10;
	v35 =	vld.idx.msk [tilespmem:v41+s3+$0x0], $0xffff  }
0x2e1: {  	v43 =	vadd.s32 $0x5A, v34;
	_ =	sdelay $0x3  }
0x2e2: {  	[tilespmem:v42+s15+$0x0] =	vst.idx.msk $0xffff, v35  }
0x2e3: {  	v44 =	vor.u32 s21, v11;
	v35 =	vld.idx.msk [tilespmem:v43+s3+$0x0], $0xffff  }
0x2e4: {  	v45 =	vadd.s32 $0x64, v34;
	_ =	sdelay $0x3  }
0x2e5: {  	[tilespmem:v44+s15+$0x0] =	vst.idx.msk $0xffff, v35  }
0x2e6: {  	v46 =	vor.u32 s21, v12;
	v35 =	vld.idx.msk [tilespmem:v45+s3+$0x0], $0xffff  }
0x2e7: {  	v47 =	vadd.s32 $0x6E, v34;
	_ =	sdelay $0x3  }
0x2e8: {  	[tilespmem:v46+s15+$0x0] =	vst.idx.msk $0xffff, v35  }
0x2e9: {  	v48 =	vor.u32 s21, v13;
	v35 =	vld.idx.msk [tilespmem:v47+s3+$0x0], $0xffff  }
0x2ea: {  	v49 =	vadd.s32 $0x78, v34;
	_ =	sdelay $0x3  }
0x2eb: {  	[tilespmem:v48+s15+$0x0] =	vst.idx.msk $0xffff, v35  }
0x2ec: {  	v50 =	vor.u32 s21, v14;
	v35 =	vld.idx.msk [tilespmem:v49+s3+$0x0], $0xffff  }
0x2ed: {  	v51 =	vadd.s32 $0x82, v34;
	_ =	sdelay $0x3  }
0x2ee: {  	[tilespmem:v50+s15+$0x0] =	vst.idx.msk $0xffff, v35  }
0x2ef: {  	v52 =	vor.u32 s21, v15;
	v35 =	vld.idx.msk [tilespmem:v51+s3+$0x0], $0xffff  }
0x2f0: {  	v53 =	vadd.s32 $0x8C, v34;
	_ =	sdelay $0x3  }
0x2f1: {  	[tilespmem:v52+s15+$0x0] =	vst.idx.msk $0xffff, v35  }
0x2f2: {  	v54 =	vor.u32 s21, v16;
	v35 =	vld.idx.msk [tilespmem:v53+s3+$0x0], $0xffff  }
0x2f3: {  	v55 =	vadd.s32 $0x96, v34;
	_ =	sdelay $0x3  }
0x2f4: {  	[tilespmem:v54+s15+$0x0] =	vst.idx.msk $0xffff, v35  }
0x2f5: {  	v56 =	vor.u32 s21, v17;
	v35 =	vld.idx.msk [tilespmem:v55+s3+$0x0], $0xffff  }
0x2f6: {  	v57 =	vadd.s32 $0xA0, v34;
	_ =	sdelay $0x3  }
0x2f7: {  	[tilespmem:v56+s15+$0x0] =	vst.idx.msk $0xffff, v35  }
0x2f8: {  	v58 =	vor.u32 s21, v18;
	v35 =	vld.idx.msk [tilespmem:v57+s3+$0x0], $0xffff  }
0x2f9: {  	v59 =	vadd.s32 $0xAA, v34;
	_ =	sdelay $0x3  }
0x2fa: {  	[tilespmem:v58+s15+$0x0] =	vst.idx.msk $0xffff, v35  }
0x2fb: {  	v60 =	vor.u32 s21, v19;
	v35 =	vld.idx.msk [tilespmem:v59+s3+$0x0], $0xffff  }
0x2fc: {  	v61 =	vadd.s32 $0xB4, v34;
	_ =	sdelay $0x3  }
0x2fd: {  	[tilespmem:v60+s15+$0x0] =	vst.idx.msk $0xffff, v35  }
0x2fe: {  	v62 =	vor.u32 s21, v20;
	v35 =	vld.idx.msk [tilespmem:v61+s3+$0x0], $0xffff  }
0x2ff: {  	v63 =	vadd.s32 $0xBE, v34;
	_ =	sdelay $0x3  }
0x300: {  	[tilespmem:v62+s15+$0x0] =	vst.idx.msk $0xffff, v35  }
0x301: {  	v40 =	vor.u32 s21, v21;
	v35 =	vld.idx.msk [tilespmem:v63+s3+$0x0], $0xffff  }
0x302: {  	v41 =	vadd.s32 $0xC8, v34;
	_ =	sdelay $0x3  }
0x303: {  	[tilespmem:v40+s15+$0x0] =	vst.idx.msk $0xffff, v35  }
0x304: {  	v42 =	vor.u32 s21, v22;
	v35 =	vld.idx.msk [tilespmem:v41+s3+$0x0], $0xffff  }
0x305: {  	v43 =	vadd.s32 $0xD2, v34;
	_ =	sdelay $0x3  }
0x306: {  	[tilespmem:v42+s15+$0x0] =	vst.idx.msk $0xffff, v35  }
0x307: {  	v44 =	vor.u32 s21, v23;
	v35 =	vld.idx.msk [tilespmem:v43+s3+$0x0], $0xffff  }
0x308: {  	v45 =	vadd.s32 $0xDC, v34;
	_ =	sdelay $0x3  }
0x309: {  	[tilespmem:v44+s15+$0x0] =	vst.idx.msk $0xffff, v35  }
0x30a: {  	v46 =	vor.u32 s21, v24;
	v35 =	vld.idx.msk [tilespmem:v45+s3+$0x0], $0xffff  }
0x30b: {  	v47 =	vadd.s32 $0xE6, v34;
	_ =	sdelay $0x3  }
0x30c: {  	[tilespmem:v46+s15+$0x0] =	vst.idx.msk $0xffff, v35  }
0x30d: {  	v48 =	vor.u32 s21, v25;
	v35 =	vld.idx.msk [tilespmem:v47+s3+$0x0], $0xffff  }
0x30e: {  	v49 =	vadd.s32 $0xF0, v34;
	_ =	sdelay $0x3  }
0x30f: {  	[tilespmem:v48+s15+$0x0] =	vst.idx.msk $0xffff, v35  }
0x310: {  	v50 =	vor.u32 s21, v26;
	v35 =	vld.idx.msk [tilespmem:v49+s3+$0x0], $0xffff  }
0x311: {  	v51 =	vadd.s32 $0xFA, v34;
	_ =	sdelay $0x3  }
0x312: {  	[tilespmem:v50+s15+$0x0] =	vst.idx.msk $0xffff, v35  }
0x313: {  	v52 =	vor.u32 s21, v27;
	v35 =	vld.idx.msk [tilespmem:v51+s3+$0x0], $0xffff  }
0x314: {  	v53 =	vadd.s32 $0x104, v34;
	_ =	sdelay $0x3  }
0x315: {  	[tilespmem:v52+s15+$0x0] =	vst.idx.msk $0xffff, v35  }
0x316: {  	v54 =	vor.u32 s21, v28;
	v35 =	vld.idx.msk [tilespmem:v53+s3+$0x0], $0xffff  }
0x317: {  	v55 =	vadd.s32 $0x10E, v34;
	_ =	sdelay $0x3  }
0x318: {  	[tilespmem:v54+s15+$0x0] =	vst.idx.msk $0xffff, v35  }
0x319: {  	v56 =	vor.u32 s21, v29;
	v35 =	vld.idx.msk [tilespmem:v55+s3+$0x0], $0xffff  }
0x31a: {  	v57 =	vadd.s32 $0x118, v34;
	_ =	sdelay $0x3  }
0x31b: {  	[tilespmem:v56+s15+$0x0] =	vst.idx.msk $0xffff, v35  }
0x31c: {  	v58 =	vor.u32 s21, v30;
	v35 =	vld.idx.msk [tilespmem:v57+s3+$0x0], $0xffff  }
0x31d: {  	v59 =	vadd.s32 $0x122, v34;
	_ =	sdelay $0x3  }
0x31e: {  	[tilespmem:v58+s15+$0x0] =	vst.idx.msk $0xffff, v35  }
0x31f: {  	v60 =	vor.u32 s21, v31;
	v35 =	vld.idx.msk [tilespmem:v59+s3+$0x0], $0xffff  }
0x320: {  	v61 =	vadd.s32 $0x12C, v34;
	_ =	sdelay $0x3  }
0x321: {  	[tilespmem:v60+s15+$0x0] =	vst.idx.msk $0xffff, v35  }
0x322: {  	v62 =	vor.u32 s21, v32;
	v35 =	vld.idx.msk [tilespmem:v61+s3+$0x0], $0xffff  }
0x323: {  	v34 =	vadd.s32 $0x136, v34;
	_ =	sdelay $0x3  }
0x324: {  	[tilespmem:v62+s15+$0x0] =	vst.idx.msk $0xffff, v35  }
0x325: {  	v63 =	vor.u32 s21, v33;
	v34 =	vld.idx.msk [tilespmem:v34+s3+$0x0], $0xffff;
	_ =	sdelay $0x1  }
.Ltmp8:
0x326: {  	s31 =	sshll.u32 s20, $0xF;
	(pc) =	sbr.rel .LBB2_9-.Ltmp8, $4  }
0x327: {  	s21 =	sadd.s32 s8, s31  }
0x328: {  	s21 =	sshrl.u32 s21, $0x3  }
0x329: {  	s21 =	sadd.s32 s2, s21;
	[tilespmem:v63+s15+$0x0] =	vst.idx.msk $0xffff, v34  }
0x32a: {  	[hbm4b:s21+s3] =	stream.linear.scatter [tilespmem:s15], [sflag:$0x4], $0x8000, $0x38;
	[tilespmem:$0x1D940] =	vst v63  }
.LBB2_11:
0x32b: {  	_ =	sfence.sel $0x180000  }
0x32c: {  	[bflag:$0x0] =	sbarrier.arrive $0xFFFF  }
0x32d: {  	p0 =	sne.s32 s0, $0x0;
	_ =	strace $0x90000047  }
0x32e: {  	s0 =	sadd.s32 @!p0 $0x100000, s1;
	[bflag:$0x2] =	sbarrier.arrive $0xFFFF  }
0x32f: {  	[sflag:s0] =	ssyncadd.tile.s32 @!p0 $0x1;
	_ =	shalt  }
.Lfunc_end2:
_tile_overlayer_lowered:
.L_overlay_start_2:
0x330: {  	(tag) =	ssettag $0x2  }
0x331: {  	s0 =	rddreg [dreg:$0x0];
	s2 =	stileid.u32  }
0x332: {  	s1 =	rddreg [dreg:$0x1];
	p0 =	sne.s32 s2, $0x0  }
0x333: {  	s3 =	rddreg [dreg:$0x2];
	[bflag:$0x3] =	sbarrier.arrive $0xFFFF;
	s2 =	simm.s32 @!p0 $0x1C05  }
0x334: {  	[timem:s3], [sflag:s2] =	dma.local @!p0 [hbm:s0], s1  }
0x335: {  	s0 =	simm.s32 @!p0 $0x5  }
0x336: {  	_ =	swait.ge @!p0 [sflag:s0], s1  }
0x337: {  	s1 =	ssub.s32 @!p0 $0x0, s1;
	[sflag:s0] =	ssyncset.done @!p0 $0x0  }
0x338: {  	[sflag:s0] =	ssyncadd.s32 @!p0 s1  }
0x339: {  	[bflag:$0x3] =	sbarrier.arrive $0xFFFF  }
0x33a: {  	_ =	shalt  }

// kernel: sparse-core-data-format-call.cloned.1.call-start
scs
called_computation_lowered:
.L_overlay_start_0:
0x0: {  	s2 =	sld [smem:$0x3FD9]  }
0x1: {  	s3 =	sld [smem:$0x3FFE];
	_ =	sdelay $0x1  }
0x2: {  	s1 =	srdreg.scid  }
0x3: {  	s0 =	sand.u32 $0x1, s1  }
0x4: {  	s18 =	sshll.u32 s0, $0xA;
	s2 =	sadd.s32 s3, s2  }
0x5: {  	s2 =	sadd.s32 s2, s18  }
0x6: {  	[smem:$0x3FC6] =	sst s2  }
0x7: {  	_ = 	snop  }
0x8: {  	s2 =	sld [smem:$0x3FD0];
	(tm) =	ssettm $0x1  }
0x9: {  	s19 =	sld [smem:$0x3FFB];
	_ =	sdelay $0x3  }
0xa: {  	_ =	strace s19  }
0xb: {  	s3 =	sld [smem:$0x3FFC];
	_ =	sdelay $0x3  }
0xc: {  	_ =	strace s3  }
0xd: {  	s3 =	sld [smem:$0x3FFD];
	_ =	sdelay $0x3  }
0xe: {  	_ =	strace s3  }
0xf: {  	_ =	strace $0x8FFFFFFF  }
0x10: {  	s20 =	sld [smem:$0x3FDB];
	_ =	sdelay $0x1  }
0x11: {  	s4 =	simm.s32 $_scs_section_size  }
0x12: {  	s5 =	simm.s32 $_size__tile_overlayer_lowered;
	s6 =	simm.s32 $_tile_overlayer_lowered  }
0x13: {  	s23 =	simm.s32 $0x1BFF;
	s22 =	sshll.u32 s6, $0x1;
	s3 =	sadd.s32 s4, s20  }
0x14: {  	s7 =	simm.s32 $0x0;
	s21 =	sshll.u32 s5, $0x1;
	s5 =	sadd.s32 s22, s3  }
0x15: {  	[timem:s7], [sflag:s23] =	dma.local [hbm:s5], s21  }
0x16: {  	_ =	swait.ge [sflag:s23], s21  }
0x17: {  	s4 =	ssub.s32 $0x0, s21;
	[sflag:s23] =	ssyncset.done $0x0  }
0x18: {  	[sflag:s23] =	ssyncadd.s32 s4;
	_ =	sdelay $0x1  }
0x19: {  	s24 =	simm.s32 $0x1B8B  }
0x1a: {  	_ =	swait.ge [sflag:s24], $0x1  }
0x1b: {  	[sflag:s24] =	ssyncset.done $0x0  }
0x1c: {  	s26 =	simm.s32 $0x1B8E;
	s25 =	sld [smem:$0x3FFE];
	[sflag:s24] =	ssyncadd.s32 $0xFFFFFFFF  }
0x1d: {  	s27 =	simm.s32 $execute0_lowered;
	[smem:$0x3FD2] =	sst s26  }
0x1e: {  	s5 =	sshll.u32 s27, $0x1;
	_ =	strace $0x80000049;
	[dreg:$0x1] =	wrdreg $0xFFFFFFFF  }
0x1f: {  	s28 =	simm.s32 $_size_execute0_lowered;
	s3 =	sadd.s32 s3, s5;
	[dreg:$0x0] =	wrdreg $0x0  }
0x20: {  	s5 =	sshll.u32 s28, $0x1;
	[dreg:$0x2] =	wrdreg s3  }
0x21: {  	[dreg:$0x3] =	wrdreg s5  }
0x22: {  	[dreg:$0x4] =	wrdreg $0xC0  }
0x23: {  	_ =	task [dreg:s7], $0x5FFFF  }
0x24: {  	[dreg:$0x1] =	wrdreg $0xFFFFFFFF  }
0x25: {  	[dreg:$0x0] =	wrdreg $0x60  }
0x26: {  	[dreg:$0x2] =	wrdreg s25  }
0x27: {  	[dreg:$0x3] =	wrdreg s2  }
0x28: {  	[dreg:$0x4] =	wrdreg $0x9  }
0x29: {  	_ =	task.clear_ibuf [dreg:s7], $0x5FFFF;
	_ =	strace $0x90000049  }
0x2a: {  	s29 =	simm.s32 $0x9;
	_ =	strace $0x8000004B  }
0x2b: {  	_ =	swait.ge [sflag:s29], $0x1  }
0x2c: {  	[sflag:s29] =	ssyncadd.s32 $0xFFFFFFFF  }
0x2d: {  	_ =	strace $0x9000004B  }
0x2e: {  	_ =	sfence  }
0x2f: {  	s30 =	sld [smem:$0x0];
	_ =	sdelay $0x2  }
0x30: {  	s31 =	sshll.u32 s1, $0xD;
	s1 =	sshrl.u32 s1, $0x2  }
0x31: {  	s3 =	sand.u32 $0x4000, s31;
	s1 =	sadd.s32 s1, s30  }
0x32: {  	s0 =	sor.u32 s3, s0;
	s1 =	sshll.u32 s1, $0x11  }
0x33: {  	s0 =	sor.u32 s1, s0  }
0x34: {  	s0 =	sadd.s32 $0x8F2B, s0  }
0x35: {  	[sflag:s0] =	ssyncadd.remote.s32 $0x1  }
0x36: {  	_ =	sfence.sel $0xFFFF  }
0x37: {  	[dreg:$0x0] =	wrdreg $0xFFFFFFFF;
	(pc) =	sbr.abs _section_cstart, $3  }
0x38: {  	[dreg:$0x1] =	wrdreg $0xFFFFFFFF  }
0x39: {  	_ =	task.clear_ibuf [dreg:s7], $0x2FFFF;
	_ =	strace $0x9FFFFFFF  }
0x3a: {  	(tm) =	ssettm $0x7FFFFFFF  }
0x3b: {  	_ =	shalt  }
tec
execute0_lowered:
.L_overlay_start_1:
0x0: {  	(tag) =	ssettag $0x1  }
0x1: {  	s0 =	srdreg.scid  }
0x2: {  	s1 =	sshll.u32 s0, $0x4  }
0x3: {  	s0 =	stileid.u32;
	s1 =	sand.u32 $0x10, s1  }
0x4: {  	s1 =	sor.u32 s0, s1  }
0x5: {  	s6 =	rddreg [dreg:$0x0];
	s4 =	simm.s32 $0x1;
	s2 =	sshll.u32 s1, $0x7  }
0x6: {  	s7 =	simm.s32 $0x2;
	s12 =	simm.s32 $0x0;
	s1 =	ssub.s32 $0x1000, s2  }
0x7: {  	s8 =	simm.s32 $0x8000;
	s13 =	simm.s32 $0x0;
	s3 =	sand.u32 $0xF80, s1  }
0x8: {  	s9 =	simm.s32 $0x0;
	s5 =	sshrl.u32 s1, $0xC;
	p0 =	sne.s32 s3, $0x0  }
.Ltmp0:
0x9: {  	s1 =	rddreg [dreg:$0x2];
	s4 =	simm.s32 @!p0 $0x0;
	(pc) =	sbr.rel .LBB1_1-.Ltmp0, $4  }
0xa: {  	s11 =	simm.s32 $0x0;
	s3 =	rddreg [dreg:$0x1];
	s5 =	sadd.s32 s4, s5  }
0xb: {  	_ =	strace $0x8000004A;
	s4 =	simm.s32 $0x1;
	s5 =	smul.u32 $0xC8, s5  }
0xc: {  	s6 =	sadd.s32 $0x800, s6;
	s10 =	smov.u32 s2;
	[sflag:s4] =	ssyncpa.u1 $0x0  }
0xd: {  	p0 =	por $0x0, $0x0;
	[sflag:s7] =	ssyncpa.u1 $0x0;
	s7 =	sor.u32 $0x1, s5  }
.LBB1_4:
0xe: {  	s16 =	sshll.u32 s13, $0x3;
	s17 =	sand.u32 $0x78, s13  }
0xf: {  	s30 =	sand.u32 $0x3E00, s13;
	s12 =	sshll.u32 s12, $0xE;
	s16 =	sand.u32 $0xC00, s16  }
0x10: {  	s31 =	sand.u32 $0x7, s13;
	s16 =	sor.u32 s17, s16;
	s17 =	sadd.s32 s3, s30  }
0x11: {  	s13 =	sshll.u32 s31, $0x12;
	s16 =	sshrl.u32 s16, $0x3;
	s12 =	sadd.s32 s12, s17  }
0x12: {  	[tilespmem:s15+$0x0 ss:$0x81] =	vst.msk $0xffff, v0;
	s13 =	sor.u32 $0x400, s13;
	s12 =	sadd.s32 s16, s12  }
0x13: {  	[hbm4b:s12+s13] =	stream.strided.scatter [tilespmem:s14], [sflag:$0x2], $0x1000, s8, s13, $0x20;
	[tilespmem:$0x4040] =	vst v63  }
.LBB1_5:
0x14: {  	s14 =	sadd.s32 $0x1, s9  }
0x15: {  	s12 =	sadd.s32 $0x1000, s10;
	s16 =	smov.u32 s10;
	p2 =	sgt.s32 s14, $0xC7  }
0x16: {  	s16 =	smov.u32 @p2 s12  }
0x17: {  	s14 =	simm.s32 @p2 $0x0;
	p2 =	sgt.s32 s16, $0xFFF  }
0x18: {  	s16 =	smov.u32 @p2 s2;
	p2 =	sne.s32 s11, s7  }
.Ltmp1:
0x19: {  	p1 =	slt.u32 s11, $0x2;
	(pc) =	sbr.rel @!p2 .LBB1_6-.Ltmp1, $4  }
0x1a: {  	s15 =	simm.s32 @!p1 $0x2  }
0x1b: {  	s13 =	smov.u32 s10;
	p0 =	por !p0, !p0;
	_ =	swait.ge @!p1 [sflag:s15], $0x1000  }
0x1c: {  	s12 =	smov.u32 s9;
	[sflag:s15] =	ssyncset.done @!p1 $0x0;
	s9 =	smov.u32 s14  }
0x1d: {  	s11 =	sadd.s32 $0x1, s11;
	[sflag:s15] =	ssyncadd.s32 @!p1 $0xFFFFF000;
	s10 =	smov.u32 s16  }
.LBB1_1:
0x1e: {  	p1 =	sge.u32 s11, s5  }
0x1f: {  	s14 =	sand.u32 @!p1 $0x1FFFFFF, s9  }
0x20: {  	s15 =	smulhi.u32 @!p1 $0x147AE15, s14;
	_ =	sdelay $0x1  }
0x21: {  	s15 =	smul.u32 @!p1 $0xC8, s15  }
0x22: {  	s16 =	sxor.u32 @!p1 $0xFFFFFFFF, s11;
	s17 =	smul.u32 @!p1 $0xC80, s10  }
0x23: {  	s31 =	sadd.s32 $0xFFFFFFFF, s11;
	s16 =	sshll.u32 @!p1 s16, $0xC;
	s14 =	ssub.s32 @!p1 s14, s15  }
0x24: {  	s15 =	sand.u32 @!p1 $0x1000, s16;
	s16 =	sadd.s32 @!p1 s6, s17;
	s14 =	sshll.u32 @!p1 s14, $0x4  }
0x25: {  	s17 =	simm.s32 @!p1 $0x6400;
	s14 =	sadd.s32 @!p1 s14, s16;
	s16 =	simm.s32 @!p1 $0x20  }
0x26: {  	[tilespmem:s15], [sflag:$0x1] =	stream.strided.gather @!p1 [hbm4b:s14+s16], $0x1000, s17, s16, $0x38;
	[tilespmem:$0x4040] =	vst v63  }
0x27: {  	p1 =	sge.u32 s31, s5  }
.Ltmp2:
0x28: {  	_ = 	snop;
	(pc) =	sbr.rel @p1 .LBB1_5-.Ltmp2, $1  }
0x29: {  	_ =	sdelay $0x3  }
0x2a: {  	s14 =	simm.s32 $0x1  }
0x2b: {  	_ =	swait.ge [sflag:s4], $0x1000;
	s14 =	simm.s32 @!p0 $0x0  }
0x2c: {  	[sflag:s4] =	ssyncset.done $0x0;
	s15 =	sshll.u32 s14, $0xC  }
0x2d: {  	[sflag:s4] =	ssyncadd.s32 $0xFFFFF000;
	s18 =	sor.u32 $0x10, s15  }
0x2e: {  	s14 =	smul.u32 $0x4080, s14;
	v1 =	vld [tilespmem:s18+$0x0]  }
0x2f: {  	s30 =	sand.u32 $0x1, s11;
	v0 =	vld [tilespmem:s18+$0xFFFFFFF0]  }
0x30: {  	s15 =	smul.u32 $0x4080, s30;
	s14 =	sshrl.u32 s14, $0x2  }
0x31: {  	s16 =	sor.u32 $0x2000, s14  }
0x32: {  	s31 =	sshrl.u32 s15, $0x2;
	s15 =	sadd.s32 $0x0, s16  }
0x33: {  	s17 =	simm.s32 $0x4;
	s18 =	sadd.s32 $0x20, s18;
	s14 =	sor.u32 $0x2000, s31;
	[tilespmem:s15+$0x810 ss:$0x81] =	vst.msk $0xffff, v1  }
.LBB1_3:
0x34: {  	v1 =	vld [tilespmem:s18+$0x0];
	p1 =	sne.s32 s17, $0x1FC;
	[tilespmem:s15+$0x0 ss:$0x81] =	vst.msk $0xffff, v0;
	s15 =	smov.u32 s17;
	s17 =	sadd.s32 $0x4, s17  }
.Ltmp3:
0x35: {  	v0 =	vld [tilespmem:s18+$0xFFFFFFF0];
	(pc) =	sbr.rel @p1 .LBB1_3-.Ltmp3, $4  }
0x36: {  	_ = 	snop  }
0x37: {  	s15 =	sshra.s32 s15, $0x2  }
0x38: {  	s15 =	sadd.s32 s15, s16  }
0x39: {  	s18 =	sadd.s32 $0x20, s18;
	[tilespmem:s15+$0x810 ss:$0x81] =	vst.msk $0xffff, v1  }
.Ltmp4:
0x3a: {  	_ = 	snop;
	(pc) =	sbr.rel .LBB1_4-.Ltmp4, $1  }
0x3b: {  	_ =	sdelay $0x3  }
.LBB1_6:
0x3c: {  	_ =	sfence.sel $0x180000  }
0x3d: {  	s2 =	simm.s32 $0x1;
	[bflag:$0x0] =	sbarrier.arrive $0xFFFF  }
0x3e: {  	s31 =	simm.s32 $0x2;
	[sflag:s2] =	ssyncpa.u1 $0x1  }
0x3f: {  	[sflag:s31] =	ssyncpa.u1 $0x1  }
0x40: {  	p0 =	sne.s32 s0, $0x0;
	_ =	strace $0x9000004A  }
0x41: {  	s0 =	sadd.s32 @!p0 $0x100000, s1;
	[bflag:$0x2] =	sbarrier.arrive $0xFFFF  }
0x42: {  	[sflag:s0] =	ssyncadd.tile.s32 @!p0 $0x1;
	_ =	shalt  }
.Lfunc_end1:
_tile_overlayer_lowered:
.L_overlay_start_2:
0x43: {  	(tag) =	ssettag $0x2  }
0x44: {  	s0 =	rddreg [dreg:$0x0];
	s2 =	stileid.u32  }
0x45: {  	s1 =	rddreg [dreg:$0x1];
	p0 =	sne.s32 s2, $0x0  }
0x46: {  	s3 =	rddreg [dreg:$0x2];
	[bflag:$0x3] =	sbarrier.arrive $0xFFFF;
	s2 =	simm.s32 @!p0 $0x1C01  }
0x47: {  	[timem:s3], [sflag:s2] =	dma.local @!p0 [hbm:s0], s1  }
0x48: {  	s0 =	simm.s32 @!p0 $0x1  }
0x49: {  	_ =	swait.ge @!p0 [sflag:s0], s1  }
0x4a: {  	s1 =	ssub.s32 @!p0 $0x0, s1;
	[sflag:s0] =	ssyncset.done @!p0 $0x0  }
0x4b: {  	[sflag:s0] =	ssyncadd.s32 @!p0 s1  }
0x4c: {  	[bflag:$0x3] =	sbarrier.arrive $0xFFFF  }
0x4d: {  	_ =	shalt  }

</sc_bundles>
